<compile_context>
chip_gen: v7x
topology: tpu7x:2x2x1
jax: 0.10.2.dev20260603
libtpu: 0.0.44.dev20260713+nightly
codegen_flags: <defaults>
</compile_context>

<pallas_src>
import functools

import jax
import jax.numpy as jnp
from jax import lax
from jax.experimental import pallas as pl
from jax.experimental.pallas import tpu as pltpu
from jax.experimental.pallas import tpu_sc as plsc

N_NODES = 10000
N_EDGES = 320000
F = 16

NC, NS = 2, 16
NW = NC * NS
CHUNK = 2000
N_CHUNKS = 5
EDGES_PER_TILE = CHUNK * N_CHUNKS
N_PAD = 10240
BLK = N_PAD // 8
ROWS_PER_TILE = N_PAD // NS
NROW128 = N_PAD * F // 128


def _pi(n):
    q = jnp.floor(n.astype(jnp.float32) * (1.0 / BLK)).astype(jnp.int32)
    return (n - q * BLK) * 8 + q



def _mm1_body(x_ref, w_ref, e_ref, o_ref, p_ref):
    fw = jnp.dot(x_ref[...], w_ref[...], preferred_element_type=jnp.float32)
    fwp = jnp.concatenate(
        [fw, jnp.zeros((N_PAD - N_NODES, F), jnp.float32)], axis=0)
    for b in range(8):
        o_ref[:, b * F:(b + 1) * F] = fwp[b * BLK:(b + 1) * BLK, :]
    p_ref[...] = jnp.reshape(_pi(e_ref[...]), (2 * N_EDGES // 128, 128))


def _tc_matmul1(x, w, e3):
    return pl.pallas_call(
        _mm1_body,
        out_shape=(
            jax.ShapeDtypeStruct((BLK, 128), jnp.float32),
            jax.ShapeDtypeStruct((2 * N_EDGES // 128, 128), jnp.int32),
        ),
    )(x, w, e3)


def _mid_body(zp_ref, w_ref, o_ref):
    h = jnp.maximum(zp_ref[:NROW128, :] + zp_ref[NROW128:, :], 0.0)
    big = jnp.tile(w_ref[...], (8, 8))
    ri = lax.broadcasted_iota(jnp.int32, (128, 128), 0) // F
    ci = lax.broadcasted_iota(jnp.int32, (128, 128), 1) // F
    wbd = jnp.where(ri == ci, big, 0.0)
    o_ref[...] = jnp.dot(h, wbd, preferred_element_type=jnp.float32)


def _tc_relu_sum_matmul(zp128, w):
    return pl.pallas_call(
        _mid_body,
        out_shape=jax.ShapeDtypeStruct((NROW128, 128), jnp.float32),
    )(zp128, w)


def _sum_body(zp_ref, o_ref):
    s = zp_ref[:NROW128, :] + zp_ref[NROW128:, :]
    for b in range(7):
        o_ref[b * BLK:(b + 1) * BLK, :] = s[:, b * F:(b + 1) * F]
    o_ref[7 * BLK:N_NODES, :] = s[:N_NODES - 7 * BLK, 7 * F:8 * F]


def _tc_sum(zp128):
    return pl.pallas_call(
        _sum_body,
        out_shape=jax.ShapeDtypeStruct((N_NODES, F), jnp.float32),
    )(zp128)



def _sc_segsum_body(vals_hbm, pidx_hbm, zeros_hbm, out_hbm, *scratch):
    src_bufs = scratch[0:N_CHUNKS]
    dst_bufs = scratch[N_CHUNKS:2 * N_CHUNKS]
    rows = scratch[2 * N_CHUNKS:2 * N_CHUNKS + 2]
    acc_sh = scratch[2 * N_CHUNKS + 2]
    isem, gsem0, gsem1, ssem0, ssem1 = scratch[2 * N_CHUNKS + 3:]
    gsems = (gsem0, gsem1)
    ssems = (ssem0, ssem1)
    c = lax.axis_index("c")
    s = lax.axis_index("s")
    wid = c * NS + s
    idx_cps = []
    for j in range(N_CHUNKS):
        base = wid * EDGES_PER_TILE + j * CHUNK
        idx_cps.append(pltpu.async_copy(
            pidx_hbm.at[0, pl.ds(base, CHUNK)], src_bufs[j], isem))
        idx_cps.append(pltpu.async_copy(
            pidx_hbm.at[1, pl.ds(base, CHUNK)], dst_bufs[j], isem))
    pltpu.sync_copy(zeros_hbm,
                    acc_sh.at[pl.ds(s * ROWS_PER_TILE, ROWS_PER_TILE)])
    for cp in idx_cps[:2]:
        cp.wait()
    plsc.subcore_barrier()
    gcps = [pltpu.async_copy(vals_hbm.at[src_bufs[0]], rows[0], gsems[0])]
    scps = []
    for j in range(N_CHUNKS):
        if j + 1 < N_CHUNKS:
            for cp in idx_cps[2 * (j + 1):2 * (j + 2)]:
                cp.wait()
            if j >= 1:
                scps[j - 1].wait()
            gcps.append(pltpu.async_copy(
                vals_hbm.at[src_bufs[j + 1]], rows[(j + 1) % 2],
                gsems[(j + 1) % 2]))
        gcps[j].wait()
        scps.append(pltpu.async_copy(
            rows[j % 2], acc_sh.at[dst_bufs[j]], ssems[j % 2], add=True))
    scps[N_CHUNKS - 2].wait()
    scps[N_CHUNKS - 1].wait()
    plsc.subcore_barrier()
    pltpu.sync_copy(acc_sh.at[pl.ds(s * ROWS_PER_TILE, ROWS_PER_TILE)],
                    out_hbm.at[c, pl.ds(s * ROWS_PER_TILE, ROWS_PER_TILE)])


_sc_segsum = functools.partial(
    pl.kernel,
    mesh=plsc.VectorSubcoreMesh(core_axis_name="c", subcore_axis_name="s"),
    compiler_params=pltpu.CompilerParams(use_tc_tiling_on_sc=False),
    out_type=jax.ShapeDtypeStruct((NC, N_PAD, F), jnp.float32),
    scratch_types=(
        [pltpu.VMEM((CHUNK,), jnp.int32) for _ in range(2 * N_CHUNKS)]
        + [pltpu.VMEM((CHUNK, F), jnp.float32) for _ in range(2)]
        + [pltpu.VMEM_SHARED((N_PAD, F), jnp.float32)]
        + [pltpu.SemaphoreType.DMA] * 5
    ),
)(_sc_segsum_body)



def kernel(features, edge_index, W1, W2):
    zeros = jnp.zeros((ROWS_PER_TILE, F), jnp.float32)
    e3 = jnp.reshape(edge_index, (2, N_EDGES // 128, 128))
    fw128, pidx2 = _tc_matmul1(features, W1, e3)
    fw = jnp.reshape(fw128, (N_PAD, F))
    pidx = jnp.reshape(pidx2, (2, N_EDGES))
    z1p = _sc_segsum(fw, pidx, zeros)
    z1p128 = jnp.reshape(z1p, (NC * NROW128, 128))
    hw128 = _tc_relu_sum_matmul(z1p128, W2)
    hw = jnp.reshape(hw128, (N_PAD, F))
    z2p = _sc_segsum(hw, pidx, zeros)
    z2p128 = jnp.reshape(z2p, (NC * NROW128, 128))
    return _tc_sum(z2p128)

# --- scband reference (transcript-rebuilt; emitter-appended) ---
"""Pipeline reference for scband-gcn-64261300683140 (READ-ONLY COPY).

The authoritative reference and input builder live on the scoring server;
editing this copy changes nothing except your own understanding.
"""

import jax, jax.numpy as jnp
import numpy as np

N_NODES = 10000
N_EDGES = 320000
IN_DIM = 128
HIDDEN_DIM = 16
OUT_DIM = 16


def _xavier(key, shape):
    limit = float(np.sqrt(6.0 / (shape[0] + shape[1])))
    return jax.random.uniform(key, shape, jnp.float32, -limit, limit)


def setup_inputs(seed: int = 0) -> dict:
    key = jax.random.key(seed)
    k1, k2, k3, k4 = jax.random.split(key, 4)
    features = jax.random.normal(k1, (N_NODES, IN_DIM), dtype=jnp.float32)
    edge_index = jax.random.randint(k2, (2, N_EDGES), 0, N_NODES, dtype=jnp.int32)
    W1 = _xavier(k3, (IN_DIM, HIDDEN_DIM))
    W2 = _xavier(k4, (HIDDEN_DIM, OUT_DIM))
    return {"features": features, "edge_index": edge_index, "W1": W1, "W2": W2}


def reference(features, edge_index, W1, W2):
    # DistGCNLayer forward: z = A @ h (sum aggregation via broadcast+spmm across
    # adjacency parts, equivalent here to a single edge-wise scatter-add), then z @ W.
    src = edge_index[0]
    dst = edge_index[1]
    # Layer 0
    z = jax.ops.segment_sum(features[src], dst, num_segments=N_NODES)
    h = z @ W1
    h = jax.nn.relu(h)
    # Layer 1 (final, no relu)
    z2 = jax.ops.segment_sum(h[src], dst, num_segments=N_NODES)
    out = z2 @ W2
    return out

if __name__ == "__main__":
    import jax
    _d = setup_inputs()
    print(jax.jit(kernel)(*tuple(_d.values())))

</pallas_src>

<mosaic_0001>
#map = affine_map<(d0, d1) -> (0, 0)>
#map1 = affine_map<(d0, d1) -> (0, 0, 0)>
module attributes {stable_mosaic.version = 14 : i64} {
  func.func @_sc_segsum_body(%arg0: i32, %arg1: i32, %arg2: memref<10240x16xf32, #tpu.memory_space<hbm>>, %arg3: memref<2x320000xi32, #tpu.memory_space<hbm>>, %arg4: memref<640x16xf32, #tpu.memory_space<hbm>>, %arg5: memref<2x10240x16xf32, #tpu.memory_space<hbm>>, %arg6: memref<2000xi32, #tpu.memory_space<vmem>>, %arg7: memref<2000xi32, #tpu.memory_space<vmem>>, %arg8: memref<2000xi32, #tpu.memory_space<vmem>>, %arg9: memref<2000xi32, #tpu.memory_space<vmem>>, %arg10: memref<2000xi32, #tpu.memory_space<vmem>>, %arg11: memref<2000xi32, #tpu.memory_space<vmem>>, %arg12: memref<2000xi32, #tpu.memory_space<vmem>>, %arg13: memref<2000xi32, #tpu.memory_space<vmem>>, %arg14: memref<2000xi32, #tpu.memory_space<vmem>>, %arg15: memref<2000xi32, #tpu.memory_space<vmem>>, %arg16: memref<2000x16xf32, #tpu.memory_space<vmem>>, %arg17: memref<2000x16xf32, #tpu.memory_space<vmem>>, %arg18: memref<10240x16xf32, #tpu.memory_space<vmem_shared>>, %arg19: memref<!tpu.dma_semaphore, #tpu.memory_space<semaphore_mem>>, %arg20: memref<!tpu.dma_semaphore, #tpu.memory_space<semaphore_mem>>, %arg21: memref<!tpu.dma_semaphore, #tpu.memory_space<semaphore_mem>>, %arg22: memref<!tpu.dma_semaphore, #tpu.memory_space<semaphore_mem>>, %arg23: memref<!tpu.dma_semaphore, #tpu.memory_space<semaphore_mem>>) attributes {dimension_semantics = [#tpu.dimension_semantics<core_parallel>, #tpu.dimension_semantics<subcore_parallel>], iteration_bounds = array<i64: 2, 16>, scalar_prefetch = 0 : i64, scratch_operands = 18 : i64, tpu.core_type = #tpu.core_type<sc_vector_subcore>, window_params = [{transform_indices = #map}, {transform_indices = #map}, {transform_indices = #map}, {transform_indices = #map1}]} {
    %mul3A = arith.constant 16 : i32
    %mul3A_0 = arith.muli %arg0, %mul3A : i32
    %add3A = arith.addi %mul3A_0, %arg1 : i32
    %mul3A_1 = arith.constant 10000 : i32
    %mul3A_2 = arith.muli %add3A, %mul3A_1 : i32
    %add3A_3 = arith.constant 0 : i32
    %add3A_4 = arith.addi %mul3A_2, %add3A_3 : i32
    %dma_start3A = arith.constant 0 : i32
    %dma_start3A_5 = tpu.memref_slice %arg3[%dma_start3A, %add3A_4] : memref<2x320000xi32, #tpu.memory_space<hbm>> -> memref<1x2000xi32, #tpu.memory_space<hbm>>
    %dma_start3A_6 = tpu.memref_squeeze %dma_start3A_5 : memref<1x2000xi32, #tpu.memory_space<hbm>> -> memref<2000xi32, #tpu.memory_space<hbm>>
    %dma_start3A_7 = tpu.memref_slice %arg3[%dma_start3A, %add3A_4] : memref<2x320000xi32, #tpu.memory_space<hbm>> -> memref<1x2000xi32, #tpu.memory_space<hbm>>
    %dma_start3A_8 = tpu.memref_squeeze %dma_start3A_7 : memref<1x2000xi32, #tpu.memory_space<hbm>> -> memref<2000xi32, #tpu.memory_space<hbm>>
    tpu.enqueue_dma source(%dma_start3A_8 : memref<2000xi32, #tpu.memory_space<hbm>>) target(%arg6 : memref<2000xi32, #tpu.memory_space<vmem>>) target_semaphore(%arg19 : memref<!tpu.dma_semaphore, #tpu.memory_space<semaphore_mem>>)
    %dma_start3A_9 = arith.constant 1 : i32
    %dma_start3A_10 = tpu.memref_slice %arg3[%dma_start3A_9, %add3A_4] : memref<2x320000xi32, #tpu.memory_space<hbm>> -> memref<1x2000xi32, #tpu.memory_space<hbm>>
    %dma_start3A_11 = tpu.memref_squeeze %dma_start3A_10 : memref<1x2000xi32, #tpu.memory_space<hbm>> -> memref<2000xi32, #tpu.memory_space<hbm>>
    %dma_start3A_12 = tpu.memref_slice %arg3[%dma_start3A_9, %add3A_4] : memref<2x320000xi32, #tpu.memory_space<hbm>> -> memref<1x2000xi32, #tpu.memory_space<hbm>>
    %dma_start3A_13 = tpu.memref_squeeze %dma_start3A_12 : memref<1x2000xi32, #tpu.memory_space<hbm>> -> memref<2000xi32, #tpu.memory_space<hbm>>
    tpu.enqueue_dma source(%dma_start3A_13 : memref<2000xi32, #tpu.memory_space<hbm>>) target(%arg11 : memref<2000xi32, #tpu.memory_space<vmem>>) target_semaphore(%arg19 : memref<!tpu.dma_semaphore, #tpu.memory_space<semaphore_mem>>)
    %mul3A_14 = arith.constant 10000 : i32
    %mul3A_15 = arith.muli %add3A, %mul3A_14 : i32
    %add3A_16 = arith.constant 2000 : i32
    %add3A_17 = arith.addi %mul3A_15, %add3A_16 : i32
    %dma_start3A_18 = arith.constant 0 : i32
    %dma_start3A_19 = tpu.memref_slice %arg3[%dma_start3A_18, %add3A_17] : memref<2x320000xi32, #tpu.memory_space<hbm>> -> memref<1x2000xi32, #tpu.memory_space<hbm>>
    %dma_start3A_20 = tpu.memref_squeeze %dma_start3A_19 : memref<1x2000xi32, #tpu.memory_space<hbm>> -> memref<2000xi32, #tpu.memory_space<hbm>>
    %dma_start3A_21 = tpu.memref_slice %arg3[%dma_start3A_18, %add3A_17] : memref<2x320000xi32, #tpu.memory_space<hbm>> -> memref<1x2000xi32, #tpu.memory_space<hbm>>
    %dma_start3A_22 = tpu.memref_squeeze %dma_start3A_21 : memref<1x2000xi32, #tpu.memory_space<hbm>> -> memref<2000xi32, #tpu.memory_space<hbm>>
    tpu.enqueue_dma source(%dma_start3A_22 : memref<2000xi32, #tpu.memory_space<hbm>>) target(%arg7 : memref<2000xi32, #tpu.memory_space<vmem>>) target_semaphore(%arg19 : memref<!tpu.dma_semaphore, #tpu.memory_space<semaphore_mem>>)
    %dma_start3A_23 = arith.constant 1 : i32
    %dma_start3A_24 = tpu.memref_slice %arg3[%dma_start3A_23, %add3A_17] : memref<2x320000xi32, #tpu.memory_space<hbm>> -> memref<1x2000xi32, #tpu.memory_space<hbm>>
    %dma_start3A_25 = tpu.memref_squeeze %dma_start3A_24 : memref<1x2000xi32, #tpu.memory_space<hbm>> -> memref<2000xi32, #tpu.memory_space<hbm>>
    %dma_start3A_26 = tpu.memref_slice %arg3[%dma_start3A_23, %add3A_17] : memref<2x320000xi32, #tpu.memory_space<hbm>> -> memref<1x2000xi32, #tpu.memory_space<hbm>>
    %dma_start3A_27 = tpu.memref_squeeze %dma_start3A_26 : memref<1x2000xi32, #tpu.memory_space<hbm>> -> memref<2000xi32, #tpu.memory_space<hbm>>
    tpu.enqueue_dma source(%dma_start3A_27 : memref<2000xi32, #tpu.memory_space<hbm>>) target(%arg12 : memref<2000xi32, #tpu.memory_space<vmem>>) target_semaphore(%arg19 : memref<!tpu.dma_semaphore, #tpu.memory_space<semaphore_mem>>)
    %mul3A_28 = arith.constant 10000 : i32
    %mul3A_29 = arith.muli %add3A, %mul3A_28 : i32
    %add3A_30 = arith.constant 4000 : i32
    %add3A_31 = arith.addi %mul3A_29, %add3A_30 : i32
    %dma_start3A_32 = arith.constant 0 : i32
    %dma_start3A_33 = tpu.memref_slice %arg3[%dma_start3A_32, %add3A_31] : memref<2x320000xi32, #tpu.memory_space<hbm>> -> memref<1x2000xi32, #tpu.memory_space<hbm>>
    %dma_start3A_34 = tpu.memref_squeeze %dma_start3A_33 : memref<1x2000xi32, #tpu.memory_space<hbm>> -> memref<2000xi32, #tpu.memory_space<hbm>>
    %dma_start3A_35 = tpu.memref_slice %arg3[%dma_start3A_32, %add3A_31] : memref<2x320000xi32, #tpu.memory_space<hbm>> -> memref<1x2000xi32, #tpu.memory_space<hbm>>
    %dma_start3A_36 = tpu.memref_squeeze %dma_start3A_35 : memref<1x2000xi32, #tpu.memory_space<hbm>> -> memref<2000xi32, #tpu.memory_space<hbm>>
    tpu.enqueue_dma source(%dma_start3A_36 : memref<2000xi32, #tpu.memory_space<hbm>>) target(%arg8 : memref<2000xi32, #tpu.memory_space<vmem>>) target_semaphore(%arg19 : memref<!tpu.dma_semaphore, #tpu.memory_space<semaphore_mem>>)
    %dma_start3A_37 = arith.constant 1 : i32
    %dma_start3A_38 = tpu.memref_slice %arg3[%dma_start3A_37, %add3A_31] : memref<2x320000xi32, #tpu.memory_space<hbm>> -> memref<1x2000xi32, #tpu.memory_space<hbm>>
    %dma_start3A_39 = tpu.memref_squeeze %dma_start3A_38 : memref<1x2000xi32, #tpu.memory_space<hbm>> -> memref<2000xi32, #tpu.memory_space<hbm>>
    %dma_start3A_40 = tpu.memref_slice %arg3[%dma_start3A_37, %add3A_31] : memref<2x320000xi32, #tpu.memory_space<hbm>> -> memref<1x2000xi32, #tpu.memory_space<hbm>>
    %dma_start3A_41 = tpu.memref_squeeze %dma_start3A_40 : memref<1x2000xi32, #tpu.memory_space<hbm>> -> memref<2000xi32, #tpu.memory_space<hbm>>
    tpu.enqueue_dma source(%dma_start3A_41 : memref<2000xi32, #tpu.memory_space<hbm>>) target(%arg13 : memref<2000xi32, #tpu.memory_space<vmem>>) target_semaphore(%arg19 : memref<!tpu.dma_semaphore, #tpu.memory_space<semaphore_mem>>)
    %mul3A_42 = arith.constant 10000 : i32
    %mul3A_43 = arith.muli %add3A, %mul3A_42 : i32
    %add3A_44 = arith.constant 6000 : i32
    %add3A_45 = arith.addi %mul3A_43, %add3A_44 : i32
    %dma_start3A_46 = arith.constant 0 : i32
    %dma_start3A_47 = tpu.memref_slice %arg3[%dma_start3A_46, %add3A_45] : memref<2x320000xi32, #tpu.memory_space<hbm>> -> memref<1x2000xi32, #tpu.memory_space<hbm>>
    %dma_start3A_48 = tpu.memref_squeeze %dma_start3A_47 : memref<1x2000xi32, #tpu.memory_space<hbm>> -> memref<2000xi32, #tpu.memory_space<hbm>>
    %dma_start3A_49 = tpu.memref_slice %arg3[%dma_start3A_46, %add3A_45] : memref<2x320000xi32, #tpu.memory_space<hbm>> -> memref<1x2000xi32, #tpu.memory_space<hbm>>
    %dma_start3A_50 = tpu.memref_squeeze %dma_start3A_49 : memref<1x2000xi32, #tpu.memory_space<hbm>> -> memref<2000xi32, #tpu.memory_space<hbm>>
    tpu.enqueue_dma source(%dma_start3A_50 : memref<2000xi32, #tpu.memory_space<hbm>>) target(%arg9 : memref<2000xi32, #tpu.memory_space<vmem>>) target_semaphore(%arg19 : memref<!tpu.dma_semaphore, #tpu.memory_space<semaphore_mem>>)
    %dma_start3A_51 = arith.constant 1 : i32
    %dma_start3A_52 = tpu.memref_slice %arg3[%dma_start3A_51, %add3A_45] : memref<2x320000xi32, #tpu.memory_space<hbm>> -> memref<1x2000xi32, #tpu.memory_space<hbm>>
    %dma_start3A_53 = tpu.memref_squeeze %dma_start3A_52 : memref<1x2000xi32, #tpu.memory_space<hbm>> -> memref<2000xi32, #tpu.memory_space<hbm>>
    %dma_start3A_54 = tpu.memref_slice %arg3[%dma_start3A_51, %add3A_45] : memref<2x320000xi32, #tpu.memory_space<hbm>> -> memref<1x2000xi32, #tpu.memory_space<hbm>>
    %dma_start3A_55 = tpu.memref_squeeze %dma_start3A_54 : memref<1x2000xi32, #tpu.memory_space<hbm>> -> memref<2000xi32, #tpu.memory_space<hbm>>
    tpu.enqueue_dma source(%dma_start3A_55 : memref<2000xi32, #tpu.memory_space<hbm>>) target(%arg14 : memref<2000xi32, #tpu.memory_space<vmem>>) target_semaphore(%arg19 : memref<!tpu.dma_semaphore, #tpu.memory_space<semaphore_mem>>)
    %mul3A_56 = arith.constant 10000 : i32
    %mul3A_57 = arith.muli %add3A, %mul3A_56 : i32
    %add3A_58 = arith.constant 8000 : i32
    %add3A_59 = arith.addi %mul3A_57, %add3A_58 : i32
    %dma_start3A_60 = arith.constant 0 : i32
    %dma_start3A_61 = tpu.memref_slice %arg3[%dma_start3A_60, %add3A_59] : memref<2x320000xi32, #tpu.memory_space<hbm>> -> memref<1x2000xi32, #tpu.memory_space<hbm>>
    %dma_start3A_62 = tpu.memref_squeeze %dma_start3A_61 : memref<1x2000xi32, #tpu.memory_space<hbm>> -> memref<2000xi32, #tpu.memory_space<hbm>>
    %dma_start3A_63 = tpu.memref_slice %arg3[%dma_start3A_60, %add3A_59] : memref<2x320000xi32, #tpu.memory_space<hbm>> -> memref<1x2000xi32, #tpu.memory_space<hbm>>
    %dma_start3A_64 = tpu.memref_squeeze %dma_start3A_63 : memref<1x2000xi32, #tpu.memory_space<hbm>> -> memref<2000xi32, #tpu.memory_space<hbm>>
    tpu.enqueue_dma source(%dma_start3A_64 : memref<2000xi32, #tpu.memory_space<hbm>>) target(%arg10 : memref<2000xi32, #tpu.memory_space<vmem>>) target_semaphore(%arg19 : memref<!tpu.dma_semaphore, #tpu.memory_space<semaphore_mem>>)
    %dma_start3A_65 = arith.constant 1 : i32
    %dma_start3A_66 = tpu.memref_slice %arg3[%dma_start3A_65, %add3A_59] : memref<2x320000xi32, #tpu.memory_space<hbm>> -> memref<1x2000xi32, #tpu.memory_space<hbm>>
    %dma_start3A_67 = tpu.memref_squeeze %dma_start3A_66 : memref<1x2000xi32, #tpu.memory_space<hbm>> -> memref<2000xi32, #tpu.memory_space<hbm>>
    %dma_start3A_68 = tpu.memref_slice %arg3[%dma_start3A_65, %add3A_59] : memref<2x320000xi32, #tpu.memory_space<hbm>> -> memref<1x2000xi32, #tpu.memory_space<hbm>>
    %dma_start3A_69 = tpu.memref_squeeze %dma_start3A_68 : memref<1x2000xi32, #tpu.memory_space<hbm>> -> memref<2000xi32, #tpu.memory_space<hbm>>
    tpu.enqueue_dma source(%dma_start3A_69 : memref<2000xi32, #tpu.memory_space<hbm>>) target(%arg15 : memref<2000xi32, #tpu.memory_space<vmem>>) target_semaphore(%arg19 : memref<!tpu.dma_semaphore, #tpu.memory_space<semaphore_mem>>)
    %mul3A_70 = arith.constant 640 : i32
    %mul3A_71 = arith.muli %arg1, %mul3A_70 : i32
    "tpu.region"() ({
      %run_scoped3A = tpu.sem_alloc : memref<!tpu.dma_semaphore, #tpu.memory_space<semaphore_mem>>
      %dma_start3A_186 = arith.constant 0 : i32
      %dma_start3A_187 = tpu.memref_slice %arg18[%mul3A_71, %dma_start3A_186] : memref<10240x16xf32, #tpu.memory_space<vmem_shared>> -> memref<640x16xf32, #tpu.memory_space<vmem_shared>>
      tpu.enqueue_dma source(%arg4 : memref<640x16xf32, #tpu.memory_space<hbm>>) target(%dma_start3A_187 : memref<640x16xf32, #tpu.memory_space<vmem_shared>>) target_semaphore(%run_scoped3A : memref<!tpu.dma_semaphore, #tpu.memory_space<semaphore_mem>>)
      %dma_wait3A_188 = arith.constant 0 : i32
      %dma_wait3A_189 = tpu.memref_slice %arg18[%mul3A_71, %dma_wait3A_188] : memref<10240x16xf32, #tpu.memory_space<vmem_shared>> -> memref<640x16xf32, #tpu.memory_space<vmem_shared>>
      tpu.wait_dma2 semaphore(%run_scoped3A : memref<!tpu.dma_semaphore, #tpu.memory_space<semaphore_mem>>) src(%arg4 : memref<640x16xf32, #tpu.memory_space<hbm>>) dst(%dma_wait3A_189 : memref<640x16xf32, #tpu.memory_space<vmem_shared>>)
      tpu.yield
    }) : () -> ()
    %dma_wait3A = arith.constant 0 : i32
    %dma_wait3A_72 = tpu.memref_slice %arg3[%dma_wait3A, %add3A_4] : memref<2x320000xi32, #tpu.memory_space<hbm>> -> memref<1x2000xi32, #tpu.memory_space<hbm>>
    %dma_wait3A_73 = tpu.memref_squeeze %dma_wait3A_72 : memref<1x2000xi32, #tpu.memory_space<hbm>> -> memref<2000xi32, #tpu.memory_space<hbm>>
    %dma_wait3A_74 = tpu.memref_slice %arg3[%dma_wait3A, %add3A_4] : memref<2x320000xi32, #tpu.memory_space<hbm>> -> memref<1x2000xi32, #tpu.memory_space<hbm>>
    %dma_wait3A_75 = tpu.memref_squeeze %dma_wait3A_74 : memref<1x2000xi32, #tpu.memory_space<hbm>> -> memref<2000xi32, #tpu.memory_space<hbm>>
    tpu.wait_dma2 semaphore(%arg19 : memref<!tpu.dma_semaphore, #tpu.memory_space<semaphore_mem>>) src(%dma_wait3A_75 : memref<2000xi32, #tpu.memory_space<hbm>>) dst(%arg6 : memref<2000xi32, #tpu.memory_space<vmem>>)
    %dma_wait3A_76 = arith.constant 1 : i32
    %dma_wait3A_77 = tpu.memref_slice %arg3[%dma_wait3A_76, %add3A_4] : memref<2x320000xi32, #tpu.memory_space<hbm>> -> memref<1x2000xi32, #tpu.memory_space<hbm>>
    %dma_wait3A_78 = tpu.memref_squeeze %dma_wait3A_77 : memref<1x2000xi32, #tpu.memory_space<hbm>> -> memref<2000xi32, #tpu.memory_space<hbm>>
    %dma_wait3A_79 = tpu.memref_slice %arg3[%dma_wait3A_76, %add3A_4] : memref<2x320000xi32, #tpu.memory_space<hbm>> -> memref<1x2000xi32, #tpu.memory_space<hbm>>
    %dma_wait3A_80 = tpu.memref_squeeze %dma_wait3A_79 : memref<1x2000xi32, #tpu.memory_space<hbm>> -> memref<2000xi32, #tpu.memory_space<hbm>>
    tpu.wait_dma2 semaphore(%arg19 : memref<!tpu.dma_semaphore, #tpu.memory_space<semaphore_mem>>) src(%dma_wait3A_80 : memref<2000xi32, #tpu.memory_space<hbm>>) dst(%arg11 : memref<2000xi32, #tpu.memory_space<vmem>>)
    %barrier3A = arith.constant 0 : index
    tpu.barrier barrier_id(%barrier3A)
    %dma_start3A_81 = arith.constant 0 : i32
    %dma_start3A_82 = arith.constant 0 : i32
    %dma_start3A_83 = tpu.memref_slice %arg2[%dma_start3A_81, %dma_start3A_82] : memref<10240x16xf32, #tpu.memory_space<hbm>> -> memref<10240x16xf32, #tpu.memory_space<hbm>>
    tpu.enqueue_indirect_dma source(%dma_start3A_83 : memref<10240x16xf32, #tpu.memory_space<hbm>>) target(%arg16 : memref<2000x16xf32, #tpu.memory_space<vmem>>) offsets(%arg6 : memref<2000xi32, #tpu.memory_space<vmem>>) semaphore(%arg20 : memref<!tpu.dma_semaphore, #tpu.memory_space<semaphore_mem>>)
    %dma_wait3A_84 = arith.constant 0 : i32
    %dma_wait3A_85 = tpu.memref_slice %arg3[%dma_wait3A_84, %add3A_17] : memref<2x320000xi32, #tpu.memory_space<hbm>> -> memref<1x2000xi32, #tpu.memory_space<hbm>>
    %dma_wait3A_86 = tpu.memref_squeeze %dma_wait3A_85 : memref<1x2000xi32, #tpu.memory_space<hbm>> -> memref<2000xi32, #tpu.memory_space<hbm>>
    %dma_wait3A_87 = tpu.memref_slice %arg3[%dma_wait3A_84, %add3A_17] : memref<2x320000xi32, #tpu.memory_space<hbm>> -> memref<1x2000xi32, #tpu.memory_space<hbm>>
    %dma_wait3A_88 = tpu.memref_squeeze %dma_wait3A_87 : memref<1x2000xi32, #tpu.memory_space<hbm>> -> memref<2000xi32, #tpu.memory_space<hbm>>
    tpu.wait_dma2 semaphore(%arg19 : memref<!tpu.dma_semaphore, #tpu.memory_space<semaphore_mem>>) src(%dma_wait3A_88 : memref<2000xi32, #tpu.memory_space<hbm>>) dst(%arg7 : memref<2000xi32, #tpu.memory_space<vmem>>)
    %dma_wait3A_89 = arith.constant 1 : i32
    %dma_wait3A_90 = tpu.memref_slice %arg3[%dma_wait3A_89, %add3A_17] : memref<2x320000xi32, #tpu.memory_space<hbm>> -> memref<1x2000xi32, #tpu.memory_space<hbm>>
    %dma_wait3A_91 = tpu.memref_squeeze %dma_wait3A_90 : memref<1x2000xi32, #tpu.memory_space<hbm>> -> memref<2000xi32, #tpu.memory_space<hbm>>
    %dma_wait3A_92 = tpu.memref_slice %arg3[%dma_wait3A_89, %add3A_17] : memref<2x320000xi32, #tpu.memory_space<hbm>> -> memref<1x2000xi32, #tpu.memory_space<hbm>>
    %dma_wait3A_93 = tpu.memref_squeeze %dma_wait3A_92 : memref<1x2000xi32, #tpu.memory_space<hbm>> -> memref<2000xi32, #tpu.memory_space<hbm>>
    tpu.wait_dma2 semaphore(%arg19 : memref<!tpu.dma_semaphore, #tpu.memory_space<semaphore_mem>>) src(%dma_wait3A_93 : memref<2000xi32, #tpu.memory_space<hbm>>) dst(%arg12 : memref<2000xi32, #tpu.memory_space<vmem>>)
    %dma_start3A_94 = arith.constant 0 : i32
    %dma_start3A_95 = arith.constant 0 : i32
    %dma_start3A_96 = tpu.memref_slice %arg2[%dma_start3A_94, %dma_start3A_95] : memref<10240x16xf32, #tpu.memory_space<hbm>> -> memref<10240x16xf32, #tpu.memory_space<hbm>>
    tpu.enqueue_indirect_dma source(%dma_start3A_96 : memref<10240x16xf32, #tpu.memory_space<hbm>>) target(%arg17 : memref<2000x16xf32, #tpu.memory_space<vmem>>) offsets(%arg7 : memref<2000xi32, #tpu.memory_space<vmem>>) semaphore(%arg21 : memref<!tpu.dma_semaphore, #tpu.memory_space<semaphore_mem>>)
    %dma_wait3A_97 = arith.constant 0 : i32
    %dma_wait3A_98 = arith.constant 0 : i32
    %dma_wait3A_99 = tpu.memref_slice %arg2[%dma_wait3A_97, %dma_wait3A_98] : memref<10240x16xf32, #tpu.memory_space<hbm>> -> memref<10240x16xf32, #tpu.memory_space<hbm>>
    tpu.wait_indirect_dma semaphore(%arg20 : memref<!tpu.dma_semaphore, #tpu.memory_space<semaphore_mem>>) src(%dma_wait3A_99 : memref<10240x16xf32, #tpu.memory_space<hbm>>) dst(%arg16 : memref<2000x16xf32, #tpu.memory_space<vmem>>)
    %dma_start3A_100 = arith.constant 0 : i32
    %dma_start3A_101 = arith.constant 0 : i32
    %dma_start3A_102 = tpu.memref_slice %arg18[%dma_start3A_100, %dma_start3A_101] : memref<10240x16xf32, #tpu.memory_space<vmem_shared>> -> memref<10240x16xf32, #tpu.memory_space<vmem_shared>>
    tpu.enqueue_indirect_dma source(%arg16 : memref<2000x16xf32, #tpu.memory_space<vmem>>) target(%dma_start3A_102 : memref<10240x16xf32, #tpu.memory_space<vmem_shared>>) offsets(%arg11 : memref<2000xi32, #tpu.memory_space<vmem>>) semaphore(%arg22 : memref<!tpu.dma_semaphore, #tpu.memory_space<semaphore_mem>>) {add = true}
    %dma_wait3A_103 = arith.constant 0 : i32
    %dma_wait3A_104 = tpu.memref_slice %arg3[%dma_wait3A_103, %add3A_31] : memref<2x320000xi32, #tpu.memory_space<hbm>> -> memref<1x2000xi32, #tpu.memory_space<hbm>>
    %dma_wait3A_105 = tpu.memref_squeeze %dma_wait3A_104 : memref<1x2000xi32, #tpu.memory_space<hbm>> -> memref<2000xi32, #tpu.memory_space<hbm>>
    %dma_wait3A_106 = tpu.memref_slice %arg3[%dma_wait3A_103, %add3A_31] : memref<2x320000xi32, #tpu.memory_space<hbm>> -> memref<1x2000xi32, #tpu.memory_space<hbm>>
    %dma_wait3A_107 = tpu.memref_squeeze %dma_wait3A_106 : memref<1x2000xi32, #tpu.memory_space<hbm>> -> memref<2000xi32, #tpu.memory_space<hbm>>
    tpu.wait_dma2 semaphore(%arg19 : memref<!tpu.dma_semaphore, #tpu.memory_space<semaphore_mem>>) src(%dma_wait3A_107 : memref<2000xi32, #tpu.memory_space<hbm>>) dst(%arg8 : memref<2000xi32, #tpu.memory_space<vmem>>)
    %dma_wait3A_108 = arith.constant 1 : i32
    %dma_wait3A_109 = tpu.memref_slice %arg3[%dma_wait3A_108, %add3A_31] : memref<2x320000xi32, #tpu.memory_space<hbm>> -> memref<1x2000xi32, #tpu.memory_space<hbm>>
    %dma_wait3A_110 = tpu.memref_squeeze %dma_wait3A_109 : memref<1x2000xi32, #tpu.memory_space<hbm>> -> memref<2000xi32, #tpu.memory_space<hbm>>
    %dma_wait3A_111 = tpu.memref_slice %arg3[%dma_wait3A_108, %add3A_31] : memref<2x320000xi32, #tpu.memory_space<hbm>> -> memref<1x2000xi32, #tpu.memory_space<hbm>>
    %dma_wait3A_112 = tpu.memref_squeeze %dma_wait3A_111 : memref<1x2000xi32, #tpu.memory_space<hbm>> -> memref<2000xi32, #tpu.memory_space<hbm>>
    tpu.wait_dma2 semaphore(%arg19 : memref<!tpu.dma_semaphore, #tpu.memory_space<semaphore_mem>>) src(%dma_wait3A_112 : memref<2000xi32, #tpu.memory_space<hbm>>) dst(%arg13 : memref<2000xi32, #tpu.memory_space<vmem>>)
    %dma_wait3A_113 = arith.constant 0 : i32
    %dma_wait3A_114 = arith.constant 0 : i32
    %dma_wait3A_115 = tpu.memref_slice %arg18[%dma_wait3A_113, %dma_wait3A_114] : memref<10240x16xf32, #tpu.memory_space<vmem_shared>> -> memref<10240x16xf32, #tpu.memory_space<vmem_shared>>
    tpu.wait_indirect_dma semaphore(%arg22 : memref<!tpu.dma_semaphore, #tpu.memory_space<semaphore_mem>>) src(%arg16 : memref<2000x16xf32, #tpu.memory_space<vmem>>) dst(%dma_wait3A_115 : memref<10240x16xf32, #tpu.memory_space<vmem_shared>>)
    %dma_start3A_116 = arith.constant 0 : i32
    %dma_start3A_117 = arith.constant 0 : i32
    %dma_start3A_118 = tpu.memref_slice %arg2[%dma_start3A_116, %dma_start3A_117] : memref<10240x16xf32, #tpu.memory_space<hbm>> -> memref<10240x16xf32, #tpu.memory_space<hbm>>
    tpu.enqueue_indirect_dma source(%dma_start3A_118 : memref<10240x16xf32, #tpu.memory_space<hbm>>) target(%arg16 : memref<2000x16xf32, #tpu.memory_space<vmem>>) offsets(%arg8 : memref<2000xi32, #tpu.memory_space<vmem>>) semaphore(%arg20 : memref<!tpu.dma_semaphore, #tpu.memory_space<semaphore_mem>>)
    %dma_wait3A_119 = arith.constant 0 : i32
    %dma_wait3A_120 = arith.constant 0 : i32
    %dma_wait3A_121 = tpu.memref_slice %arg2[%dma_wait3A_119, %dma_wait3A_120] : memref<10240x16xf32, #tpu.memory_space<hbm>> -> memref<10240x16xf32, #tpu.memory_space<hbm>>
    tpu.wait_indirect_dma semaphore(%arg21 : memref<!tpu.dma_semaphore, #tpu.memory_space<semaphore_mem>>) src(%dma_wait3A_121 : memref<10240x16xf32, #tpu.memory_space<hbm>>) dst(%arg17 : memref<2000x16xf32, #tpu.memory_space<vmem>>)
    %dma_start3A_122 = arith.constant 0 : i32
    %dma_start3A_123 = arith.constant 0 : i32
    %dma_start3A_124 = tpu.memref_slice %arg18[%dma_start3A_122, %dma_start3A_123] : memref<10240x16xf32, #tpu.memory_space<vmem_shared>> -> memref<10240x16xf32, #tpu.memory_space<vmem_shared>>
    tpu.enqueue_indirect_dma source(%arg17 : memref<2000x16xf32, #tpu.memory_space<vmem>>) target(%dma_start3A_124 : memref<10240x16xf32, #tpu.memory_space<vmem_shared>>) offsets(%arg12 : memref<2000xi32, #tpu.memory_space<vmem>>) semaphore(%arg23 : memref<!tpu.dma_semaphore, #tpu.memory_space<semaphore_mem>>) {add = true}
    %dma_wait3A_125 = arith.constant 0 : i32
    %dma_wait3A_126 = tpu.memref_slice %arg3[%dma_wait3A_125, %add3A_45] : memref<2x320000xi32, #tpu.memory_space<hbm>> -> memref<1x2000xi32, #tpu.memory_space<hbm>>
    %dma_wait3A_127 = tpu.memref_squeeze %dma_wait3A_126 : memref<1x2000xi32, #tpu.memory_space<hbm>> -> memref<2000xi32, #tpu.memory_space<hbm>>
    %dma_wait3A_128 = tpu.memref_slice %arg3[%dma_wait3A_125, %add3A_45] : memref<2x320000xi32, #tpu.memory_space<hbm>> -> memref<1x2000xi32, #tpu.memory_space<hbm>>
    %dma_wait3A_129 = tpu.memref_squeeze %dma_wait3A_128 : memref<1x2000xi32, #tpu.memory_space<hbm>> -> memref<2000xi32, #tpu.memory_space<hbm>>
    tpu.wait_dma2 semaphore(%arg19 : memref<!tpu.dma_semaphore, #tpu.memory_space<semaphore_mem>>) src(%dma_wait3A_129 : memref<2000xi32, #tpu.memory_space<hbm>>) dst(%arg9 : memref<2000xi32, #tpu.memory_space<vmem>>)
    %dma_wait3A_130 = arith.constant 1 : i32
    %dma_wait3A_131 = tpu.memref_slice %arg3[%dma_wait3A_130, %add3A_45] : memref<2x320000xi32, #tpu.memory_space<hbm>> -> memref<1x2000xi32, #tpu.memory_space<hbm>>
    %dma_wait3A_132 = tpu.memref_squeeze %dma_wait3A_131 : memref<1x2000xi32, #tpu.memory_space<hbm>> -> memref<2000xi32, #tpu.memory_space<hbm>>
    %dma_wait3A_133 = tpu.memref_slice %arg3[%dma_wait3A_130, %add3A_45] : memref<2x320000xi32, #tpu.memory_space<hbm>> -> memref<1x2000xi32, #tpu.memory_space<hbm>>
    %dma_wait3A_134 = tpu.memref_squeeze %dma_wait3A_133 : memref<1x2000xi32, #tpu.memory_space<hbm>> -> memref<2000xi32, #tpu.memory_space<hbm>>
    tpu.wait_dma2 semaphore(%arg19 : memref<!tpu.dma_semaphore, #tpu.memory_space<semaphore_mem>>) src(%dma_wait3A_134 : memref<2000xi32, #tpu.memory_space<hbm>>) dst(%arg14 : memref<2000xi32, #tpu.memory_space<vmem>>)
    %dma_wait3A_135 = arith.constant 0 : i32
    %dma_wait3A_136 = arith.constant 0 : i32
    %dma_wait3A_137 = tpu.memref_slice %arg18[%dma_wait3A_135, %dma_wait3A_136] : memref<10240x16xf32, #tpu.memory_space<vmem_shared>> -> memref<10240x16xf32, #tpu.memory_space<vmem_shared>>
    tpu.wait_indirect_dma semaphore(%arg23 : memref<!tpu.dma_semaphore, #tpu.memory_space<semaphore_mem>>) src(%arg17 : memref<2000x16xf32, #tpu.memory_space<vmem>>) dst(%dma_wait3A_137 : memref<10240x16xf32, #tpu.memory_space<vmem_shared>>)
    %dma_start3A_138 = arith.constant 0 : i32
    %dma_start3A_139 = arith.constant 0 : i32
    %dma_start3A_140 = tpu.memref_slice %arg2[%dma_start3A_138, %dma_start3A_139] : memref<10240x16xf32, #tpu.memory_space<hbm>> -> memref<10240x16xf32, #tpu.memory_space<hbm>>
    tpu.enqueue_indirect_dma source(%dma_start3A_140 : memref<10240x16xf32, #tpu.memory_space<hbm>>) target(%arg17 : memref<2000x16xf32, #tpu.memory_space<vmem>>) offsets(%arg9 : memref<2000xi32, #tpu.memory_space<vmem>>) semaphore(%arg21 : memref<!tpu.dma_semaphore, #tpu.memory_space<semaphore_mem>>)
    %dma_wait3A_141 = arith.constant 0 : i32
    %dma_wait3A_142 = arith.constant 0 : i32
    %dma_wait3A_143 = tpu.memref_slice %arg2[%dma_wait3A_141, %dma_wait3A_142] : memref<10240x16xf32, #tpu.memory_space<hbm>> -> memref<10240x16xf32, #tpu.memory_space<hbm>>
    tpu.wait_indirect_dma semaphore(%arg20 : memref<!tpu.dma_semaphore, #tpu.memory_space<semaphore_mem>>) src(%dma_wait3A_143 : memref<10240x16xf32, #tpu.memory_space<hbm>>) dst(%arg16 : memref<2000x16xf32, #tpu.memory_space<vmem>>)
    %dma_start3A_144 = arith.constant 0 : i32
    %dma_start3A_145 = arith.constant 0 : i32
    %dma_start3A_146 = tpu.memref_slice %arg18[%dma_start3A_144, %dma_start3A_145] : memref<10240x16xf32, #tpu.memory_space<vmem_shared>> -> memref<10240x16xf32, #tpu.memory_space<vmem_shared>>
    tpu.enqueue_indirect_dma source(%arg16 : memref<2000x16xf32, #tpu.memory_space<vmem>>) target(%dma_start3A_146 : memref<10240x16xf32, #tpu.memory_space<vmem_shared>>) offsets(%arg13 : memref<2000xi32, #tpu.memory_space<vmem>>) semaphore(%arg22 : memref<!tpu.dma_semaphore, #tpu.memory_space<semaphore_mem>>) {add = true}
    %dma_wait3A_147 = arith.constant 0 : i32
    %dma_wait3A_148 = tpu.memref_slice %arg3[%dma_wait3A_147, %add3A_59] : memref<2x320000xi32, #tpu.memory_space<hbm>> -> memref<1x2000xi32, #tpu.memory_space<hbm>>
    %dma_wait3A_149 = tpu.memref_squeeze %dma_wait3A_148 : memref<1x2000xi32, #tpu.memory_space<hbm>> -> memref<2000xi32, #tpu.memory_space<hbm>>
    %dma_wait3A_150 = tpu.memref_slice %arg3[%dma_wait3A_147, %add3A_59] : memref<2x320000xi32, #tpu.memory_space<hbm>> -> memref<1x2000xi32, #tpu.memory_space<hbm>>
    %dma_wait3A_151 = tpu.memref_squeeze %dma_wait3A_150 : memref<1x2000xi32, #tpu.memory_space<hbm>> -> memref<2000xi32, #tpu.memory_space<hbm>>
    tpu.wait_dma2 semaphore(%arg19 : memref<!tpu.dma_semaphore, #tpu.memory_space<semaphore_mem>>) src(%dma_wait3A_151 : memref<2000xi32, #tpu.memory_space<hbm>>) dst(%arg10 : memref<2000xi32, #tpu.memory_space<vmem>>)
    %dma_wait3A_152 = arith.constant 1 : i32
    %dma_wait3A_153 = tpu.memref_slice %arg3[%dma_wait3A_152, %add3A_59] : memref<2x320000xi32, #tpu.memory_space<hbm>> -> memref<1x2000xi32, #tpu.memory_space<hbm>>
    %dma_wait3A_154 = tpu.memref_squeeze %dma_wait3A_153 : memref<1x2000xi32, #tpu.memory_space<hbm>> -> memref<2000xi32, #tpu.memory_space<hbm>>
    %dma_wait3A_155 = tpu.memref_slice %arg3[%dma_wait3A_152, %add3A_59] : memref<2x320000xi32, #tpu.memory_space<hbm>> -> memref<1x2000xi32, #tpu.memory_space<hbm>>
    %dma_wait3A_156 = tpu.memref_squeeze %dma_wait3A_155 : memref<1x2000xi32, #tpu.memory_space<hbm>> -> memref<2000xi32, #tpu.memory_space<hbm>>
    tpu.wait_dma2 semaphore(%arg19 : memref<!tpu.dma_semaphore, #tpu.memory_space<semaphore_mem>>) src(%dma_wait3A_156 : memref<2000xi32, #tpu.memory_space<hbm>>) dst(%arg15 : memref<2000xi32, #tpu.memory_space<vmem>>)
    %dma_wait3A_157 = arith.constant 0 : i32
    %dma_wait3A_158 = arith.constant 0 : i32
    %dma_wait3A_159 = tpu.memref_slice %arg18[%dma_wait3A_157, %dma_wait3A_158] : memref<10240x16xf32, #tpu.memory_space<vmem_shared>> -> memref<10240x16xf32, #tpu.memory_space<vmem_shared>>
    tpu.wait_indirect_dma semaphore(%arg22 : memref<!tpu.dma_semaphore, #tpu.memory_space<semaphore_mem>>) src(%arg16 : memref<2000x16xf32, #tpu.memory_space<vmem>>) dst(%dma_wait3A_159 : memref<10240x16xf32, #tpu.memory_space<vmem_shared>>)
    %dma_start3A_160 = arith.constant 0 : i32
    %dma_start3A_161 = arith.constant 0 : i32
    %dma_start3A_162 = tpu.memref_slice %arg2[%dma_start3A_160, %dma_start3A_161] : memref<10240x16xf32, #tpu.memory_space<hbm>> -> memref<10240x16xf32, #tpu.memory_space<hbm>>
    tpu.enqueue_indirect_dma source(%dma_start3A_162 : memref<10240x16xf32, #tpu.memory_space<hbm>>) target(%arg16 : memref<2000x16xf32, #tpu.memory_space<vmem>>) offsets(%arg10 : memref<2000xi32, #tpu.memory_space<vmem>>) semaphore(%arg20 : memref<!tpu.dma_semaphore, #tpu.memory_space<semaphore_mem>>)
    %dma_wait3A_163 = arith.constant 0 : i32
    %dma_wait3A_164 = arith.constant 0 : i32
    %dma_wait3A_165 = tpu.memref_slice %arg2[%dma_wait3A_163, %dma_wait3A_164] : memref<10240x16xf32, #tpu.memory_space<hbm>> -> memref<10240x16xf32, #tpu.memory_space<hbm>>
    tpu.wait_indirect_dma semaphore(%arg21 : memref<!tpu.dma_semaphore, #tpu.memory_space<semaphore_mem>>) src(%dma_wait3A_165 : memref<10240x16xf32, #tpu.memory_space<hbm>>) dst(%arg17 : memref<2000x16xf32, #tpu.memory_space<vmem>>)
    %dma_start3A_166 = arith.constant 0 : i32
    %dma_start3A_167 = arith.constant 0 : i32
    %dma_start3A_168 = tpu.memref_slice %arg18[%dma_start3A_166, %dma_start3A_167] : memref<10240x16xf32, #tpu.memory_space<vmem_shared>> -> memref<10240x16xf32, #tpu.memory_space<vmem_shared>>
    tpu.enqueue_indirect_dma source(%arg17 : memref<2000x16xf32, #tpu.memory_space<vmem>>) target(%dma_start3A_168 : memref<10240x16xf32, #tpu.memory_space<vmem_shared>>) offsets(%arg14 : memref<2000xi32, #tpu.memory_space<vmem>>) semaphore(%arg23 : memref<!tpu.dma_semaphore, #tpu.memory_space<semaphore_mem>>) {add = true}
    %dma_wait3A_169 = arith.constant 0 : i32
    %dma_wait3A_170 = arith.constant 0 : i32
    %dma_wait3A_171 = tpu.memref_slice %arg2[%dma_wait3A_169, %dma_wait3A_170] : memref<10240x16xf32, #tpu.memory_space<hbm>> -> memref<10240x16xf32, #tpu.memory_space<hbm>>
    tpu.wait_indirect_dma semaphore(%arg20 : memref<!tpu.dma_semaphore, #tpu.memory_space<semaphore_mem>>) src(%dma_wait3A_171 : memref<10240x16xf32, #tpu.memory_space<hbm>>) dst(%arg16 : memref<2000x16xf32, #tpu.memory_space<vmem>>)
    %dma_start3A_172 = arith.constant 0 : i32
    %dma_start3A_173 = arith.constant 0 : i32
    %dma_start3A_174 = tpu.memref_slice %arg18[%dma_start3A_172, %dma_start3A_173] : memref<10240x16xf32, #tpu.memory_space<vmem_shared>> -> memref<10240x16xf32, #tpu.memory_space<vmem_shared>>
    tpu.enqueue_indirect_dma source(%arg16 : memref<2000x16xf32, #tpu.memory_space<vmem>>) target(%dma_start3A_174 : memref<10240x16xf32, #tpu.memory_space<vmem_shared>>) offsets(%arg15 : memref<2000xi32, #tpu.memory_space<vmem>>) semaphore(%arg22 : memref<!tpu.dma_semaphore, #tpu.memory_space<semaphore_mem>>) {add = true}
    %dma_wait3A_175 = arith.constant 0 : i32
    %dma_wait3A_176 = arith.constant 0 : i32
    %dma_wait3A_177 = tpu.memref_slice %arg18[%dma_wait3A_175, %dma_wait3A_176] : memref<10240x16xf32, #tpu.memory_space<vmem_shared>> -> memref<10240x16xf32, #tpu.memory_space<vmem_shared>>
    tpu.wait_indirect_dma semaphore(%arg23 : memref<!tpu.dma_semaphore, #tpu.memory_space<semaphore_mem>>) src(%arg17 : memref<2000x16xf32, #tpu.memory_space<vmem>>) dst(%dma_wait3A_177 : memref<10240x16xf32, #tpu.memory_space<vmem_shared>>)
    %dma_wait3A_178 = arith.constant 0 : i32
    %dma_wait3A_179 = arith.constant 0 : i32
    %dma_wait3A_180 = tpu.memref_slice %arg18[%dma_wait3A_178, %dma_wait3A_179] : memref<10240x16xf32, #tpu.memory_space<vmem_shared>> -> memref<10240x16xf32, #tpu.memory_space<vmem_shared>>
    tpu.wait_indirect_dma semaphore(%arg22 : memref<!tpu.dma_semaphore, #tpu.memory_space<semaphore_mem>>) src(%arg16 : memref<2000x16xf32, #tpu.memory_space<vmem>>) dst(%dma_wait3A_180 : memref<10240x16xf32, #tpu.memory_space<vmem_shared>>)
    %barrier3A_181 = arith.constant 0 : index
    tpu.barrier barrier_id(%barrier3A_181)
    %mul3A_182 = arith.constant 640 : i32
    %mul3A_183 = arith.muli %arg1, %mul3A_182 : i32
    %mul3A_184 = arith.constant 640 : i32
    %mul3A_185 = arith.muli %arg1, %mul3A_184 : i32
    "tpu.region"() ({
      %run_scoped3A = tpu.sem_alloc : memref<!tpu.dma_semaphore, #tpu.memory_space<semaphore_mem>>
      %dma_start3A_186 = arith.constant 0 : i32
      %dma_start3A_187 = tpu.memref_slice %arg5[%arg0, %mul3A_185, %dma_start3A_186] : memref<2x10240x16xf32, #tpu.memory_space<hbm>> -> memref<1x640x16xf32, #tpu.memory_space<hbm>>
      %dma_start3A_188 = tpu.memref_squeeze %dma_start3A_187 : memref<1x640x16xf32, #tpu.memory_space<hbm>> -> memref<640x16xf32, #tpu.memory_space<hbm>>
      %dma_start3A_189 = arith.constant 0 : i32
      %dma_start3A_190 = tpu.memref_slice %arg18[%mul3A_183, %dma_start3A_189] : memref<10240x16xf32, #tpu.memory_space<vmem_shared>> -> memref<640x16xf32, #tpu.memory_space<vmem_shared>>
      tpu.enqueue_dma source(%dma_start3A_190 : memref<640x16xf32, #tpu.memory_space<vmem_shared>>) target(%dma_start3A_188 : memref<640x16xf32, #tpu.memory_space<hbm>>) target_semaphore(%run_scoped3A : memref<!tpu.dma_semaphore, #tpu.memory_space<semaphore_mem>>)
      %dma_wait3A_191 = arith.constant 0 : i32
      %dma_wait3A_192 = tpu.memref_slice %arg5[%arg0, %mul3A_185, %dma_wait3A_191] : memref<2x10240x16xf32, #tpu.memory_space<hbm>> -> memref<1x640x16xf32, #tpu.memory_space<hbm>>
      %dma_wait3A_193 = tpu.memref_squeeze %dma_wait3A_192 : memref<1x640x16xf32, #tpu.memory_space<hbm>> -> memref<640x16xf32, #tpu.memory_space<hbm>>
      %dma_wait3A_194 = arith.constant 0 : i32
      %dma_wait3A_195 = tpu.memref_slice %arg18[%mul3A_183, %dma_wait3A_194] : memref<10240x16xf32, #tpu.memory_space<vmem_shared>> -> memref<640x16xf32, #tpu.memory_space<vmem_shared>>
      tpu.wait_dma2 semaphore(%run_scoped3A : memref<!tpu.dma_semaphore, #tpu.memory_space<semaphore_mem>>) src(%dma_wait3A_195 : memref<640x16xf32, #tpu.memory_space<vmem_shared>>) dst(%dma_wait3A_193 : memref<640x16xf32, #tpu.memory_space<hbm>>)
      tpu.yield
    }) : () -> ()
    return
  }
}

#map = affine_map<(d0, d1) -> (0, 0)>
#map1 = affine_map<(d0, d1) -> (0, 0, 0)>
module attributes {stable_mosaic.version = 14 : i64} {
  func.func @_sc_segsum_body(%arg0: i32, %arg1: i32, %arg2: memref<10240x16xf32, #tpu.memory_space<hbm>>, %arg3: memref<2x320000xi32, #tpu.memory_space<hbm>>, %arg4: memref<640x16xf32, #tpu.memory_space<hbm>>, %arg5: memref<2x10240x16xf32, #tpu.memory_space<hbm>>, %arg6: memref<2000xi32, #tpu.memory_space<vmem>>, %arg7: memref<2000xi32, #tpu.memory_space<vmem>>, %arg8: memref<2000xi32, #tpu.memory_space<vmem>>, %arg9: memref<2000xi32, #tpu.memory_space<vmem>>, %arg10: memref<2000xi32, #tpu.memory_space<vmem>>, %arg11: memref<2000xi32, #tpu.memory_space<vmem>>, %arg12: memref<2000xi32, #tpu.memory_space<vmem>>, %arg13: memref<2000xi32, #tpu.memory_space<vmem>>, %arg14: memref<2000xi32, #tpu.memory_space<vmem>>, %arg15: memref<2000xi32, #tpu.memory_space<vmem>>, %arg16: memref<2000x16xf32, #tpu.memory_space<vmem>>, %arg17: memref<2000x16xf32, #tpu.memory_space<vmem>>, %arg18: memref<10240x16xf32, #tpu.memory_space<vmem_shared>>, %arg19: memref<!tpu.dma_semaphore, #tpu.memory_space<semaphore_mem>>, %arg20: memref<!tpu.dma_semaphore, #tpu.memory_space<semaphore_mem>>, %arg21: memref<!tpu.dma_semaphore, #tpu.memory_space<semaphore_mem>>, %arg22: memref<!tpu.dma_semaphore, #tpu.memory_space<semaphore_mem>>, %arg23: memref<!tpu.dma_semaphore, #tpu.memory_space<semaphore_mem>>) attributes {dimension_semantics = [#tpu.dimension_semantics<core_parallel>, #tpu.dimension_semantics<subcore_parallel>], iteration_bounds = array<i64: 2, 16>, scalar_prefetch = 0 : i64, scratch_operands = 18 : i64, tpu.core_type = #tpu.core_type<sc_vector_subcore>, window_params = [{transform_indices = #map}, {transform_indices = #map}, {transform_indices = #map}, {transform_indices = #map1}]} {
    %mul3A = arith.constant 16 : i32
    %mul3A_0 = arith.muli %arg0, %mul3A : i32
    %add3A = arith.addi %mul3A_0, %arg1 : i32
    %mul3A_1 = arith.constant 10000 : i32
    %mul3A_2 = arith.muli %add3A, %mul3A_1 : i32
    %add3A_3 = arith.constant 0 : i32
    %add3A_4 = arith.addi %mul3A_2, %add3A_3 : i32
    %dma_start3A = arith.constant 0 : i32
    %dma_start3A_5 = tpu.memref_slice %arg3[%dma_start3A, %add3A_4] : memref<2x320000xi32, #tpu.memory_space<hbm>> -> memref<1x2000xi32, #tpu.memory_space<hbm>>
    %dma_start3A_6 = tpu.memref_squeeze %dma_start3A_5 : memref<1x2000xi32, #tpu.memory_space<hbm>> -> memref<2000xi32, #tpu.memory_space<hbm>>
    %dma_start3A_7 = tpu.memref_slice %arg3[%dma_start3A, %add3A_4] : memref<2x320000xi32, #tpu.memory_space<hbm>> -> memref<1x2000xi32, #tpu.memory_space<hbm>>
    %dma_start3A_8 = tpu.memref_squeeze %dma_start3A_7 : memref<1x2000xi32, #tpu.memory_space<hbm>> -> memref<2000xi32, #tpu.memory_space<hbm>>
    tpu.enqueue_dma source(%dma_start3A_8 : memref<2000xi32, #tpu.memory_space<hbm>>) target(%arg6 : memref<2000xi32, #tpu.memory_space<vmem>>) target_semaphore(%arg19 : memref<!tpu.dma_semaphore, #tpu.memory_space<semaphore_mem>>)
    %dma_start3A_9 = arith.constant 1 : i32
    %dma_start3A_10 = tpu.memref_slice %arg3[%dma_start3A_9, %add3A_4] : memref<2x320000xi32, #tpu.memory_space<hbm>> -> memref<1x2000xi32, #tpu.memory_space<hbm>>
    %dma_start3A_11 = tpu.memref_squeeze %dma_start3A_10 : memref<1x2000xi32, #tpu.memory_space<hbm>> -> memref<2000xi32, #tpu.memory_space<hbm>>
    %dma_start3A_12 = tpu.memref_slice %arg3[%dma_start3A_9, %add3A_4] : memref<2x320000xi32, #tpu.memory_space<hbm>> -> memref<1x2000xi32, #tpu.memory_space<hbm>>
    %dma_start3A_13 = tpu.memref_squeeze %dma_start3A_12 : memref<1x2000xi32, #tpu.memory_space<hbm>> -> memref<2000xi32, #tpu.memory_space<hbm>>
    tpu.enqueue_dma source(%dma_start3A_13 : memref<2000xi32, #tpu.memory_space<hbm>>) target(%arg11 : memref<2000xi32, #tpu.memory_space<vmem>>) target_semaphore(%arg19 : memref<!tpu.dma_semaphore, #tpu.memory_space<semaphore_mem>>)
    %mul3A_14 = arith.constant 10000 : i32
    %mul3A_15 = arith.muli %add3A, %mul3A_14 : i32
    %add3A_16 = arith.constant 2000 : i32
    %add3A_17 = arith.addi %mul3A_15, %add3A_16 : i32
    %dma_start3A_18 = arith.constant 0 : i32
    %dma_start3A_19 = tpu.memref_slice %arg3[%dma_start3A_18, %add3A_17] : memref<2x320000xi32, #tpu.memory_space<hbm>> -> memref<1x2000xi32, #tpu.memory_space<hbm>>
    %dma_start3A_20 = tpu.memref_squeeze %dma_start3A_19 : memref<1x2000xi32, #tpu.memory_space<hbm>> -> memref<2000xi32, #tpu.memory_space<hbm>>
    %dma_start3A_21 = tpu.memref_slice %arg3[%dma_start3A_18, %add3A_17] : memref<2x320000xi32, #tpu.memory_space<hbm>> -> memref<1x2000xi32, #tpu.memory_space<hbm>>
    %dma_start3A_22 = tpu.memref_squeeze %dma_start3A_21 : memref<1x2000xi32, #tpu.memory_space<hbm>> -> memref<2000xi32, #tpu.memory_space<hbm>>
    tpu.enqueue_dma source(%dma_start3A_22 : memref<2000xi32, #tpu.memory_space<hbm>>) target(%arg7 : memref<2000xi32, #tpu.memory_space<vmem>>) target_semaphore(%arg19 : memref<!tpu.dma_semaphore, #tpu.memory_space<semaphore_mem>>)
    %dma_start3A_23 = arith.constant 1 : i32
    %dma_start3A_24 = tpu.memref_slice %arg3[%dma_start3A_23, %add3A_17] : memref<2x320000xi32, #tpu.memory_space<hbm>> -> memref<1x2000xi32, #tpu.memory_space<hbm>>
    %dma_start3A_25 = tpu.memref_squeeze %dma_start3A_24 : memref<1x2000xi32, #tpu.memory_space<hbm>> -> memref<2000xi32, #tpu.memory_space<hbm>>
    %dma_start3A_26 = tpu.memref_slice %arg3[%dma_start3A_23, %add3A_17] : memref<2x320000xi32, #tpu.memory_space<hbm>> -> memref<1x2000xi32, #tpu.memory_space<hbm>>
    %dma_start3A_27 = tpu.memref_squeeze %dma_start3A_26 : memref<1x2000xi32, #tpu.memory_space<hbm>> -> memref<2000xi32, #tpu.memory_space<hbm>>
    tpu.enqueue_dma source(%dma_start3A_27 : memref<2000xi32, #tpu.memory_space<hbm>>) target(%arg12 : memref<2000xi32, #tpu.memory_space<vmem>>) target_semaphore(%arg19 : memref<!tpu.dma_semaphore, #tpu.memory_space<semaphore_mem>>)
    %mul3A_28 = arith.constant 10000 : i32
    %mul3A_29 = arith.muli %add3A, %mul3A_28 : i32
    %add3A_30 = arith.constant 4000 : i32
    %add3A_31 = arith.addi %mul3A_29, %add3A_30 : i32
    %dma_start3A_32 = arith.constant 0 : i32
    %dma_start3A_33 = tpu.memref_slice %arg3[%dma_start3A_32, %add3A_31] : memref<2x320000xi32, #tpu.memory_space<hbm>> -> memref<1x2000xi32, #tpu.memory_space<hbm>>
    %dma_start3A_34 = tpu.memref_squeeze %dma_start3A_33 : memref<1x2000xi32, #tpu.memory_space<hbm>> -> memref<2000xi32, #tpu.memory_space<hbm>>
    %dma_start3A_35 = tpu.memref_slice %arg3[%dma_start3A_32, %add3A_31] : memref<2x320000xi32, #tpu.memory_space<hbm>> -> memref<1x2000xi32, #tpu.memory_space<hbm>>
    %dma_start3A_36 = tpu.memref_squeeze %dma_start3A_35 : memref<1x2000xi32, #tpu.memory_space<hbm>> -> memref<2000xi32, #tpu.memory_space<hbm>>
    tpu.enqueue_dma source(%dma_start3A_36 : memref<2000xi32, #tpu.memory_space<hbm>>) target(%arg8 : memref<2000xi32, #tpu.memory_space<vmem>>) target_semaphore(%arg19 : memref<!tpu.dma_semaphore, #tpu.memory_space<semaphore_mem>>)
    %dma_start3A_37 = arith.constant 1 : i32
    %dma_start3A_38 = tpu.memref_slice %arg3[%dma_start3A_37, %add3A_31] : memref<2x320000xi32, #tpu.memory_space<hbm>> -> memref<1x2000xi32, #tpu.memory_space<hbm>>
    %dma_start3A_39 = tpu.memref_squeeze %dma_start3A_38 : memref<1x2000xi32, #tpu.memory_space<hbm>> -> memref<2000xi32, #tpu.memory_space<hbm>>
    %dma_start3A_40 = tpu.memref_slice %arg3[%dma_start3A_37, %add3A_31] : memref<2x320000xi32, #tpu.memory_space<hbm>> -> memref<1x2000xi32, #tpu.memory_space<hbm>>
    %dma_start3A_41 = tpu.memref_squeeze %dma_start3A_40 : memref<1x2000xi32, #tpu.memory_space<hbm>> -> memref<2000xi32, #tpu.memory_space<hbm>>
    tpu.enqueue_dma source(%dma_start3A_41 : memref<2000xi32, #tpu.memory_space<hbm>>) target(%arg13 : memref<2000xi32, #tpu.memory_space<vmem>>) target_semaphore(%arg19 : memref<!tpu.dma_semaphore, #tpu.memory_space<semaphore_mem>>)
    %mul3A_42 = arith.constant 10000 : i32
    %mul3A_43 = arith.muli %add3A, %mul3A_42 : i32
    %add3A_44 = arith.constant 6000 : i32
    %add3A_45 = arith.addi %mul3A_43, %add3A_44 : i32
    %dma_start3A_46 = arith.constant 0 : i32
    %dma_start3A_47 = tpu.memref_slice %arg3[%dma_start3A_46, %add3A_45] : memref<2x320000xi32, #tpu.memory_space<hbm>> -> memref<1x2000xi32, #tpu.memory_space<hbm>>
    %dma_start3A_48 = tpu.memref_squeeze %dma_start3A_47 : memref<1x2000xi32, #tpu.memory_space<hbm>> -> memref<2000xi32, #tpu.memory_space<hbm>>
    %dma_start3A_49 = tpu.memref_slice %arg3[%dma_start3A_46, %add3A_45] : memref<2x320000xi32, #tpu.memory_space<hbm>> -> memref<1x2000xi32, #tpu.memory_space<hbm>>
    %dma_start3A_50 = tpu.memref_squeeze %dma_start3A_49 : memref<1x2000xi32, #tpu.memory_space<hbm>> -> memref<2000xi32, #tpu.memory_space<hbm>>
    tpu.enqueue_dma source(%dma_start3A_50 : memref<2000xi32, #tpu.memory_space<hbm>>) target(%arg9 : memref<2000xi32, #tpu.memory_space<vmem>>) target_semaphore(%arg19 : memref<!tpu.dma_semaphore, #tpu.memory_space<semaphore_mem>>)
    %dma_start3A_51 = arith.constant 1 : i32
    %dma_start3A_52 = tpu.memref_slice %arg3[%dma_start3A_51, %add3A_45] : memref<2x320000xi32, #tpu.memory_space<hbm>> -> memref<1x2000xi32, #tpu.memory_space<hbm>>
    %dma_start3A_53 = tpu.memref_squeeze %dma_start3A_52 : memref<1x2000xi32, #tpu.memory_space<hbm>> -> memref<2000xi32, #tpu.memory_space<hbm>>
    %dma_start3A_54 = tpu.memref_slice %arg3[%dma_start3A_51, %add3A_45] : memref<2x320000xi32, #tpu.memory_space<hbm>> -> memref<1x2000xi32, #tpu.memory_space<hbm>>
    %dma_start3A_55 = tpu.memref_squeeze %dma_start3A_54 : memref<1x2000xi32, #tpu.memory_space<hbm>> -> memref<2000xi32, #tpu.memory_space<hbm>>
    tpu.enqueue_dma source(%dma_start3A_55 : memref<2000xi32, #tpu.memory_space<hbm>>) target(%arg14 : memref<2000xi32, #tpu.memory_space<vmem>>) target_semaphore(%arg19 : memref<!tpu.dma_semaphore, #tpu.memory_space<semaphore_mem>>)
    %mul3A_56 = arith.constant 10000 : i32
    %mul3A_57 = arith.muli %add3A, %mul3A_56 : i32
    %add3A_58 = arith.constant 8000 : i32
    %add3A_59 = arith.addi %mul3A_57, %add3A_58 : i32
    %dma_start3A_60 = arith.constant 0 : i32
    %dma_start3A_61 = tpu.memref_slice %arg3[%dma_start3A_60, %add3A_59] : memref<2x320000xi32, #tpu.memory_space<hbm>> -> memref<1x2000xi32, #tpu.memory_space<hbm>>
    %dma_start3A_62 = tpu.memref_squeeze %dma_start3A_61 : memref<1x2000xi32, #tpu.memory_space<hbm>> -> memref<2000xi32, #tpu.memory_space<hbm>>
    %dma_start3A_63 = tpu.memref_slice %arg3[%dma_start3A_60, %add3A_59] : memref<2x320000xi32, #tpu.memory_space<hbm>> -> memref<1x2000xi32, #tpu.memory_space<hbm>>
    %dma_start3A_64 = tpu.memref_squeeze %dma_start3A_63 : memref<1x2000xi32, #tpu.memory_space<hbm>> -> memref<2000xi32, #tpu.memory_space<hbm>>
    tpu.enqueue_dma source(%dma_start3A_64 : memref<2000xi32, #tpu.memory_space<hbm>>) target(%arg10 : memref<2000xi32, #tpu.memory_space<vmem>>) target_semaphore(%arg19 : memref<!tpu.dma_semaphore, #tpu.memory_space<semaphore_mem>>)
    %dma_start3A_65 = arith.constant 1 : i32
    %dma_start3A_66 = tpu.memref_slice %arg3[%dma_start3A_65, %add3A_59] : memref<2x320000xi32, #tpu.memory_space<hbm>> -> memref<1x2000xi32, #tpu.memory_space<hbm>>
    %dma_start3A_67 = tpu.memref_squeeze %dma_start3A_66 : memref<1x2000xi32, #tpu.memory_space<hbm>> -> memref<2000xi32, #tpu.memory_space<hbm>>
    %dma_start3A_68 = tpu.memref_slice %arg3[%dma_start3A_65, %add3A_59] : memref<2x320000xi32, #tpu.memory_space<hbm>> -> memref<1x2000xi32, #tpu.memory_space<hbm>>
    %dma_start3A_69 = tpu.memref_squeeze %dma_start3A_68 : memref<1x2000xi32, #tpu.memory_space<hbm>> -> memref<2000xi32, #tpu.memory_space<hbm>>
    tpu.enqueue_dma source(%dma_start3A_69 : memref<2000xi32, #tpu.memory_space<hbm>>) target(%arg15 : memref<2000xi32, #tpu.memory_space<vmem>>) target_semaphore(%arg19 : memref<!tpu.dma_semaphore, #tpu.memory_space<semaphore_mem>>)
    %mul3A_70 = arith.constant 640 : i32
    %mul3A_71 = arith.muli %arg1, %mul3A_70 : i32
    "tpu.region"() ({
      %run_scoped3A = tpu.sem_alloc : memref<!tpu.dma_semaphore, #tpu.memory_space<semaphore_mem>>
      %dma_start3A_186 = arith.constant 0 : i32
      %dma_start3A_187 = tpu.memref_slice %arg18[%mul3A_71, %dma_start3A_186] : memref<10240x16xf32, #tpu.memory_space<vmem_shared>> -> memref<640x16xf32, #tpu.memory_space<vmem_shared>>
      tpu.enqueue_dma source(%arg4 : memref<640x16xf32, #tpu.memory_space<hbm>>) target(%dma_start3A_187 : memref<640x16xf32, #tpu.memory_space<vmem_shared>>) target_semaphore(%run_scoped3A : memref<!tpu.dma_semaphore, #tpu.memory_space<semaphore_mem>>)
      %dma_wait3A_188 = arith.constant 0 : i32
      %dma_wait3A_189 = tpu.memref_slice %arg18[%mul3A_71, %dma_wait3A_188] : memref<10240x16xf32, #tpu.memory_space<vmem_shared>> -> memref<640x16xf32, #tpu.memory_space<vmem_shared>>
      tpu.wait_dma2 semaphore(%run_scoped3A : memref<!tpu.dma_semaphore, #tpu.memory_space<semaphore_mem>>) src(%arg4 : memref<640x16xf32, #tpu.memory_space<hbm>>) dst(%dma_wait3A_189 : memref<640x16xf32, #tpu.memory_space<vmem_shared>>)
      tpu.yield
    }) : () -> ()
    %dma_wait3A = arith.constant 0 : i32
    %dma_wait3A_72 = tpu.memref_slice %arg3[%dma_wait3A, %add3A_4] : memref<2x320000xi32, #tpu.memory_space<hbm>> -> memref<1x2000xi32, #tpu.memory_space<hbm>>
    %dma_wait3A_73 = tpu.memref_squeeze %dma_wait3A_72 : memref<1x2000xi32, #tpu.memory_space<hbm>> -> memref<2000xi32, #tpu.memory_space<hbm>>
    %dma_wait3A_74 = tpu.memref_slice %arg3[%dma_wait3A, %add3A_4] : memref<2x320000xi32, #tpu.memory_space<hbm>> -> memref<1x2000xi32, #tpu.memory_space<hbm>>
    %dma_wait3A_75 = tpu.memref_squeeze %dma_wait3A_74 : memref<1x2000xi32, #tpu.memory_space<hbm>> -> memref<2000xi32, #tpu.memory_space<hbm>>
    tpu.wait_dma2 semaphore(%arg19 : memref<!tpu.dma_semaphore, #tpu.memory_space<semaphore_mem>>) src(%dma_wait3A_75 : memref<2000xi32, #tpu.memory_space<hbm>>) dst(%arg6 : memref<2000xi32, #tpu.memory_space<vmem>>)
    %dma_wait3A_76 = arith.constant 1 : i32
    %dma_wait3A_77 = tpu.memref_slice %arg3[%dma_wait3A_76, %add3A_4] : memref<2x320000xi32, #tpu.memory_space<hbm>> -> memref<1x2000xi32, #tpu.memory_space<hbm>>
    %dma_wait3A_78 = tpu.memref_squeeze %dma_wait3A_77 : memref<1x2000xi32, #tpu.memory_space<hbm>> -> memref<2000xi32, #tpu.memory_space<hbm>>
    %dma_wait3A_79 = tpu.memref_slice %arg3[%dma_wait3A_76, %add3A_4] : memref<2x320000xi32, #tpu.memory_space<hbm>> -> memref<1x2000xi32, #tpu.memory_space<hbm>>
    %dma_wait3A_80 = tpu.memref_squeeze %dma_wait3A_79 : memref<1x2000xi32, #tpu.memory_space<hbm>> -> memref<2000xi32, #tpu.memory_space<hbm>>
    tpu.wait_dma2 semaphore(%arg19 : memref<!tpu.dma_semaphore, #tpu.memory_space<semaphore_mem>>) src(%dma_wait3A_80 : memref<2000xi32, #tpu.memory_space<hbm>>) dst(%arg11 : memref<2000xi32, #tpu.memory_space<vmem>>)
    %barrier3A = arith.constant 0 : index
    tpu.barrier barrier_id(%barrier3A)
    %dma_start3A_81 = arith.constant 0 : i32
    %dma_start3A_82 = arith.constant 0 : i32
    %dma_start3A_83 = tpu.memref_slice %arg2[%dma_start3A_81, %dma_start3A_82] : memref<10240x16xf32, #tpu.memory_space<hbm>> -> memref<10240x16xf32, #tpu.memory_space<hbm>>
    tpu.enqueue_indirect_dma source(%dma_start3A_83 : memref<10240x16xf32, #tpu.memory_space<hbm>>) target(%arg16 : memref<2000x16xf32, #tpu.memory_space<vmem>>) offsets(%arg6 : memref<2000xi32, #tpu.memory_space<vmem>>) semaphore(%arg20 : memref<!tpu.dma_semaphore, #tpu.memory_space<semaphore_mem>>)
    %dma_wait3A_84 = arith.constant 0 : i32
    %dma_wait3A_85 = tpu.memref_slice %arg3[%dma_wait3A_84, %add3A_17] : memref<2x320000xi32, #tpu.memory_space<hbm>> -> memref<1x2000xi32, #tpu.memory_space<hbm>>
    %dma_wait3A_86 = tpu.memref_squeeze %dma_wait3A_85 : memref<1x2000xi32, #tpu.memory_space<hbm>> -> memref<2000xi32, #tpu.memory_space<hbm>>
    %dma_wait3A_87 = tpu.memref_slice %arg3[%dma_wait3A_84, %add3A_17] : memref<2x320000xi32, #tpu.memory_space<hbm>> -> memref<1x2000xi32, #tpu.memory_space<hbm>>
    %dma_wait3A_88 = tpu.memref_squeeze %dma_wait3A_87 : memref<1x2000xi32, #tpu.memory_space<hbm>> -> memref<2000xi32, #tpu.memory_space<hbm>>
    tpu.wait_dma2 semaphore(%arg19 : memref<!tpu.dma_semaphore, #tpu.memory_space<semaphore_mem>>) src(%dma_wait3A_88 : memref<2000xi32, #tpu.memory_space<hbm>>) dst(%arg7 : memref<2000xi32, #tpu.memory_space<vmem>>)
    %dma_wait3A_89 = arith.constant 1 : i32
    %dma_wait3A_90 = tpu.memref_slice %arg3[%dma_wait3A_89, %add3A_17] : memref<2x320000xi32, #tpu.memory_space<hbm>> -> memref<1x2000xi32, #tpu.memory_space<hbm>>
    %dma_wait3A_91 = tpu.memref_squeeze %dma_wait3A_90 : memref<1x2000xi32, #tpu.memory_space<hbm>> -> memref<2000xi32, #tpu.memory_space<hbm>>
    %dma_wait3A_92 = tpu.memref_slice %arg3[%dma_wait3A_89, %add3A_17] : memref<2x320000xi32, #tpu.memory_space<hbm>> -> memref<1x2000xi32, #tpu.memory_space<hbm>>
    %dma_wait3A_93 = tpu.memref_squeeze %dma_wait3A_92 : memref<1x2000xi32, #tpu.memory_space<hbm>> -> memref<2000xi32, #tpu.memory_space<hbm>>
    tpu.wait_dma2 semaphore(%arg19 : memref<!tpu.dma_semaphore, #tpu.memory_space<semaphore_mem>>) src(%dma_wait3A_93 : memref<2000xi32, #tpu.memory_space<hbm>>) dst(%arg12 : memref<2000xi32, #tpu.memory_space<vmem>>)
    %dma_start3A_94 = arith.constant 0 : i32
    %dma_start3A_95 = arith.constant 0 : i32
    %dma_start3A_96 = tpu.memref_slice %arg2[%dma_start3A_94, %dma_start3A_95] : memref<10240x16xf32, #tpu.memory_space<hbm>> -> memref<10240x16xf32, #tpu.memory_space<hbm>>
    tpu.enqueue_indirect_dma source(%dma_start3A_96 : memref<10240x16xf32, #tpu.memory_space<hbm>>) target(%arg17 : memref<2000x16xf32, #tpu.memory_space<vmem>>) offsets(%arg7 : memref<2000xi32, #tpu.memory_space<vmem>>) semaphore(%arg21 : memref<!tpu.dma_semaphore, #tpu.memory_space<semaphore_mem>>)
    %dma_wait3A_97 = arith.constant 0 : i32
    %dma_wait3A_98 = arith.constant 0 : i32
    %dma_wait3A_99 = tpu.memref_slice %arg2[%dma_wait3A_97, %dma_wait3A_98] : memref<10240x16xf32, #tpu.memory_space<hbm>> -> memref<10240x16xf32, #tpu.memory_space<hbm>>
    tpu.wait_indirect_dma semaphore(%arg20 : memref<!tpu.dma_semaphore, #tpu.memory_space<semaphore_mem>>) src(%dma_wait3A_99 : memref<10240x16xf32, #tpu.memory_space<hbm>>) dst(%arg16 : memref<2000x16xf32, #tpu.memory_space<vmem>>)
    %dma_start3A_100 = arith.constant 0 : i32
    %dma_start3A_101 = arith.constant 0 : i32
    %dma_start3A_102 = tpu.memref_slice %arg18[%dma_start3A_100, %dma_start3A_101] : memref<10240x16xf32, #tpu.memory_space<vmem_shared>> -> memref<10240x16xf32, #tpu.memory_space<vmem_shared>>
    tpu.enqueue_indirect_dma source(%arg16 : memref<2000x16xf32, #tpu.memory_space<vmem>>) target(%dma_start3A_102 : memref<10240x16xf32, #tpu.memory_space<vmem_shared>>) offsets(%arg11 : memref<2000xi32, #tpu.memory_space<vmem>>) semaphore(%arg22 : memref<!tpu.dma_semaphore, #tpu.memory_space<semaphore_mem>>) {add = true}
    %dma_wait3A_103 = arith.constant 0 : i32
    %dma_wait3A_104 = tpu.memref_slice %arg3[%dma_wait3A_103, %add3A_31] : memref<2x320000xi32, #tpu.memory_space<hbm>> -> memref<1x2000xi32, #tpu.memory_space<hbm>>
    %dma_wait3A_105 = tpu.memref_squeeze %dma_wait3A_104 : memref<1x2000xi32, #tpu.memory_space<hbm>> -> memref<2000xi32, #tpu.memory_space<hbm>>
    %dma_wait3A_106 = tpu.memref_slice %arg3[%dma_wait3A_103, %add3A_31] : memref<2x320000xi32, #tpu.memory_space<hbm>> -> memref<1x2000xi32, #tpu.memory_space<hbm>>
    %dma_wait3A_107 = tpu.memref_squeeze %dma_wait3A_106 : memref<1x2000xi32, #tpu.memory_space<hbm>> -> memref<2000xi32, #tpu.memory_space<hbm>>
    tpu.wait_dma2 semaphore(%arg19 : memref<!tpu.dma_semaphore, #tpu.memory_space<semaphore_mem>>) src(%dma_wait3A_107 : memref<2000xi32, #tpu.memory_space<hbm>>) dst(%arg8 : memref<2000xi32, #tpu.memory_space<vmem>>)
    %dma_wait3A_108 = arith.constant 1 : i32
    %dma_wait3A_109 = tpu.memref_slice %arg3[%dma_wait3A_108, %add3A_31] : memref<2x320000xi32, #tpu.memory_space<hbm>> -> memref<1x2000xi32, #tpu.memory_space<hbm>>
    %dma_wait3A_110 = tpu.memref_squeeze %dma_wait3A_109 : memref<1x2000xi32, #tpu.memory_space<hbm>> -> memref<2000xi32, #tpu.memory_space<hbm>>
    %dma_wait3A_111 = tpu.memref_slice %arg3[%dma_wait3A_108, %add3A_31] : memref<2x320000xi32, #tpu.memory_space<hbm>> -> memref<1x2000xi32, #tpu.memory_space<hbm>>
    %dma_wait3A_112 = tpu.memref_squeeze %dma_wait3A_111 : memref<1x2000xi32, #tpu.memory_space<hbm>> -> memref<2000xi32, #tpu.memory_space<hbm>>
    tpu.wait_dma2 semaphore(%arg19 : memref<!tpu.dma_semaphore, #tpu.memory_space<semaphore_mem>>) src(%dma_wait3A_112 : memref<2000xi32, #tpu.memory_space<hbm>>) dst(%arg13 : memref<2000xi32, #tpu.memory_space<vmem>>)
    %dma_wait3A_113 = arith.constant 0 : i32
    %dma_wait3A_114 = arith.constant 0 : i32
    %dma_wait3A_115 = tpu.memref_slice %arg18[%dma_wait3A_113, %dma_wait3A_114] : memref<10240x16xf32, #tpu.memory_space<vmem_shared>> -> memref<10240x16xf32, #tpu.memory_space<vmem_shared>>
    tpu.wait_indirect_dma semaphore(%arg22 : memref<!tpu.dma_semaphore, #tpu.memory_space<semaphore_mem>>) src(%arg16 : memref<2000x16xf32, #tpu.memory_space<vmem>>) dst(%dma_wait3A_115 : memref<10240x16xf32, #tpu.memory_space<vmem_shared>>)
    %dma_start3A_116 = arith.constant 0 : i32
    %dma_start3A_117 = arith.constant 0 : i32
    %dma_start3A_118 = tpu.memref_slice %arg2[%dma_start3A_116, %dma_start3A_117] : memref<10240x16xf32, #tpu.memory_space<hbm>> -> memref<10240x16xf32, #tpu.memory_space<hbm>>
    tpu.enqueue_indirect_dma source(%dma_start3A_118 : memref<10240x16xf32, #tpu.memory_space<hbm>>) target(%arg16 : memref<2000x16xf32, #tpu.memory_space<vmem>>) offsets(%arg8 : memref<2000xi32, #tpu.memory_space<vmem>>) semaphore(%arg20 : memref<!tpu.dma_semaphore, #tpu.memory_space<semaphore_mem>>)
    %dma_wait3A_119 = arith.constant 0 : i32
    %dma_wait3A_120 = arith.constant 0 : i32
    %dma_wait3A_121 = tpu.memref_slice %arg2[%dma_wait3A_119, %dma_wait3A_120] : memref<10240x16xf32, #tpu.memory_space<hbm>> -> memref<10240x16xf32, #tpu.memory_space<hbm>>
    tpu.wait_indirect_dma semaphore(%arg21 : memref<!tpu.dma_semaphore, #tpu.memory_space<semaphore_mem>>) src(%dma_wait3A_121 : memref<10240x16xf32, #tpu.memory_space<hbm>>) dst(%arg17 : memref<2000x16xf32, #tpu.memory_space<vmem>>)
    %dma_start3A_122 = arith.constant 0 : i32
    %dma_start3A_123 = arith.constant 0 : i32
    %dma_start3A_124 = tpu.memref_slice %arg18[%dma_start3A_122, %dma_start3A_123] : memref<10240x16xf32, #tpu.memory_space<vmem_shared>> -> memref<10240x16xf32, #tpu.memory_space<vmem_shared>>
    tpu.enqueue_indirect_dma source(%arg17 : memref<2000x16xf32, #tpu.memory_space<vmem>>) target(%dma_start3A_124 : memref<10240x16xf32, #tpu.memory_space<vmem_shared>>) offsets(%arg12 : memref<2000xi32, #tpu.memory_space<vmem>>) semaphore(%arg23 : memref<!tpu.dma_semaphore, #tpu.memory_space<semaphore_mem>>) {add = true}
    %dma_wait3A_125 = arith.constant 0 : i32
    %dma_wait3A_126 = tpu.memref_slice %arg3[%dma_wait3A_125, %add3A_45] : memref<2x320000xi32, #tpu.memory_space<hbm>> -> memref<1x2000xi32, #tpu.memory_space<hbm>>
    %dma_wait3A_127 = tpu.memref_squeeze %dma_wait3A_126 : memref<1x2000xi32, #tpu.memory_space<hbm>> -> memref<2000xi32, #tpu.memory_space<hbm>>
    %dma_wait3A_128 = tpu.memref_slice %arg3[%dma_wait3A_125, %add3A_45] : memref<2x320000xi32, #tpu.memory_space<hbm>> -> memref<1x2000xi32, #tpu.memory_space<hbm>>
    %dma_wait3A_129 = tpu.memref_squeeze %dma_wait3A_128 : memref<1x2000xi32, #tpu.memory_space<hbm>> -> memref<2000xi32, #tpu.memory_space<hbm>>
    tpu.wait_dma2 semaphore(%arg19 : memref<!tpu.dma_semaphore, #tpu.memory_space<semaphore_mem>>) src(%dma_wait3A_129 : memref<2000xi32, #tpu.memory_space<hbm>>) dst(%arg9 : memref<2000xi32, #tpu.memory_space<vmem>>)
    %dma_wait3A_130 = arith.constant 1 : i32
    %dma_wait3A_131 = tpu.memref_slice %arg3[%dma_wait3A_130, %add3A_45] : memref<2x320000xi32, #tpu.memory_space<hbm>> -> memref<1x2000xi32, #tpu.memory_space<hbm>>
    %dma_wait3A_132 = tpu.memref_squeeze %dma_wait3A_131 : memref<1x2000xi32, #tpu.memory_space<hbm>> -> memref<2000xi32, #tpu.memory_space<hbm>>
    %dma_wait3A_133 = tpu.memref_slice %arg3[%dma_wait3A_130, %add3A_45] : memref<2x320000xi32, #tpu.memory_space<hbm>> -> memref<1x2000xi32, #tpu.memory_space<hbm>>
    %dma_wait3A_134 = tpu.memref_squeeze %dma_wait3A_133 : memref<1x2000xi32, #tpu.memory_space<hbm>> -> memref<2000xi32, #tpu.memory_space<hbm>>
    tpu.wait_dma2 semaphore(%arg19 : memref<!tpu.dma_semaphore, #tpu.memory_space<semaphore_mem>>) src(%dma_wait3A_134 : memref<2000xi32, #tpu.memory_space<hbm>>) dst(%arg14 : memref<2000xi32, #tpu.memory_space<vmem>>)
    %dma_wait3A_135 = arith.constant 0 : i32
    %dma_wait3A_136 = arith.constant 0 : i32
    %dma_wait3A_137 = tpu.memref_slice %arg18[%dma_wait3A_135, %dma_wait3A_136] : memref<10240x16xf32, #tpu.memory_space<vmem_shared>> -> memref<10240x16xf32, #tpu.memory_space<vmem_shared>>
    tpu.wait_indirect_dma semaphore(%arg23 : memref<!tpu.dma_semaphore, #tpu.memory_space<semaphore_mem>>) src(%arg17 : memref<2000x16xf32, #tpu.memory_space<vmem>>) dst(%dma_wait3A_137 : memref<10240x16xf32, #tpu.memory_space<vmem_shared>>)
    %dma_start3A_138 = arith.constant 0 : i32
    %dma_start3A_139 = arith.constant 0 : i32
    %dma_start3A_140 = tpu.memref_slice %arg2[%dma_start3A_138, %dma_start3A_139] : memref<10240x16xf32, #tpu.memory_space<hbm>> -> memref<10240x16xf32, #tpu.memory_space<hbm>>
    tpu.enqueue_indirect_dma source(%dma_start3A_140 : memref<10240x16xf32, #tpu.memory_space<hbm>>) target(%arg17 : memref<2000x16xf32, #tpu.memory_space<vmem>>) offsets(%arg9 : memref<2000xi32, #tpu.memory_space<vmem>>) semaphore(%arg21 : memref<!tpu.dma_semaphore, #tpu.memory_space<semaphore_mem>>)
    %dma_wait3A_141 = arith.constant 0 : i32
    %dma_wait3A_142 = arith.constant 0 : i32
    %dma_wait3A_143 = tpu.memref_slice %arg2[%dma_wait3A_141, %dma_wait3A_142] : memref<10240x16xf32, #tpu.memory_space<hbm>> -> memref<10240x16xf32, #tpu.memory_space<hbm>>
    tpu.wait_indirect_dma semaphore(%arg20 : memref<!tpu.dma_semaphore, #tpu.memory_space<semaphore_mem>>) src(%dma_wait3A_143 : memref<10240x16xf32, #tpu.memory_space<hbm>>) dst(%arg16 : memref<2000x16xf32, #tpu.memory_space<vmem>>)
    %dma_start3A_144 = arith.constant 0 : i32
    %dma_start3A_145 = arith.constant 0 : i32
    %dma_start3A_146 = tpu.memref_slice %arg18[%dma_start3A_144, %dma_start3A_145] : memref<10240x16xf32, #tpu.memory_space<vmem_shared>> -> memref<10240x16xf32, #tpu.memory_space<vmem_shared>>
    tpu.enqueue_indirect_dma source(%arg16 : memref<2000x16xf32, #tpu.memory_space<vmem>>) target(%dma_start3A_146 : memref<10240x16xf32, #tpu.memory_space<vmem_shared>>) offsets(%arg13 : memref<2000xi32, #tpu.memory_space<vmem>>) semaphore(%arg22 : memref<!tpu.dma_semaphore, #tpu.memory_space<semaphore_mem>>) {add = true}
    %dma_wait3A_147 = arith.constant 0 : i32
    %dma_wait3A_148 = tpu.memref_slice %arg3[%dma_wait3A_147, %add3A_59] : memref<2x320000xi32, #tpu.memory_space<hbm>> -> memref<1x2000xi32, #tpu.memory_space<hbm>>
    %dma_wait3A_149 = tpu.memref_squeeze %dma_wait3A_148 : memref<1x2000xi32, #tpu.memory_space<hbm>> -> memref<2000xi32, #tpu.memory_space<hbm>>
    %dma_wait3A_150 = tpu.memref_slice %arg3[%dma_wait3A_147, %add3A_59] : memref<2x320000xi32, #tpu.memory_space<hbm>> -> memref<1x2000xi32, #tpu.memory_space<hbm>>
    %dma_wait3A_151 = tpu.memref_squeeze %dma_wait3A_150 : memref<1x2000xi32, #tpu.memory_space<hbm>> -> memref<2000xi32, #tpu.memory_space<hbm>>
    tpu.wait_dma2 semaphore(%arg19 : memref<!tpu.dma_semaphore, #tpu.memory_space<semaphore_mem>>) src(%dma_wait3A_151 : memref<2000xi32, #tpu.memory_space<hbm>>) dst(%arg10 : memref<2000xi32, #tpu.memory_space<vmem>>)
    %dma_wait3A_152 = arith.constant 1 : i32
    %dma_wait3A_153 = tpu.memref_slice %arg3[%dma_wait3A_152, %add3A_59] : memref<2x320000xi32, #tpu.memory_space<hbm>> -> memref<1x2000xi32, #tpu.memory_space<hbm>>
    %dma_wait3A_154 = tpu.memref_squeeze %dma_wait3A_153 : memref<1x2000xi32, #tpu.memory_space<hbm>> -> memref<2000xi32, #tpu.memory_space<hbm>>
    %dma_wait3A_155 = tpu.memref_slice %arg3[%dma_wait3A_152, %add3A_59] : memref<2x320000xi32, #tpu.memory_space<hbm>> -> memref<1x2000xi32, #tpu.memory_space<hbm>>
    %dma_wait3A_156 = tpu.memref_squeeze %dma_wait3A_155 : memref<1x2000xi32, #tpu.memory_space<hbm>> -> memref<2000xi32, #tpu.memory_space<hbm>>
    tpu.wait_dma2 semaphore(%arg19 : memref<!tpu.dma_semaphore, #tpu.memory_space<semaphore_mem>>) src(%dma_wait3A_156 : memref<2000xi32, #tpu.memory_space<hbm>>) dst(%arg15 : memref<2000xi32, #tpu.memory_space<vmem>>)
    %dma_wait3A_157 = arith.constant 0 : i32
    %dma_wait3A_158 = arith.constant 0 : i32
    %dma_wait3A_159 = tpu.memref_slice %arg18[%dma_wait3A_157, %dma_wait3A_158] : memref<10240x16xf32, #tpu.memory_space<vmem_shared>> -> memref<10240x16xf32, #tpu.memory_space<vmem_shared>>
    tpu.wait_indirect_dma semaphore(%arg22 : memref<!tpu.dma_semaphore, #tpu.memory_space<semaphore_mem>>) src(%arg16 : memref<2000x16xf32, #tpu.memory_space<vmem>>) dst(%dma_wait3A_159 : memref<10240x16xf32, #tpu.memory_space<vmem_shared>>)
    %dma_start3A_160 = arith.constant 0 : i32
    %dma_start3A_161 = arith.constant 0 : i32
    %dma_start3A_162 = tpu.memref_slice %arg2[%dma_start3A_160, %dma_start3A_161] : memref<10240x16xf32, #tpu.memory_space<hbm>> -> memref<10240x16xf32, #tpu.memory_space<hbm>>
    tpu.enqueue_indirect_dma source(%dma_start3A_162 : memref<10240x16xf32, #tpu.memory_space<hbm>>) target(%arg16 : memref<2000x16xf32, #tpu.memory_space<vmem>>) offsets(%arg10 : memref<2000xi32, #tpu.memory_space<vmem>>) semaphore(%arg20 : memref<!tpu.dma_semaphore, #tpu.memory_space<semaphore_mem>>)
    %dma_wait3A_163 = arith.constant 0 : i32
    %dma_wait3A_164 = arith.constant 0 : i32
    %dma_wait3A_165 = tpu.memref_slice %arg2[%dma_wait3A_163, %dma_wait3A_164] : memref<10240x16xf32, #tpu.memory_space<hbm>> -> memref<10240x16xf32, #tpu.memory_space<hbm>>
    tpu.wait_indirect_dma semaphore(%arg21 : memref<!tpu.dma_semaphore, #tpu.memory_space<semaphore_mem>>) src(%dma_wait3A_165 : memref<10240x16xf32, #tpu.memory_space<hbm>>) dst(%arg17 : memref<2000x16xf32, #tpu.memory_space<vmem>>)
    %dma_start3A_166 = arith.constant 0 : i32
    %dma_start3A_167 = arith.constant 0 : i32
    %dma_start3A_168 = tpu.memref_slice %arg18[%dma_start3A_166, %dma_start3A_167] : memref<10240x16xf32, #tpu.memory_space<vmem_shared>> -> memref<10240x16xf32, #tpu.memory_space<vmem_shared>>
    tpu.enqueue_indirect_dma source(%arg17 : memref<2000x16xf32, #tpu.memory_space<vmem>>) target(%dma_start3A_168 : memref<10240x16xf32, #tpu.memory_space<vmem_shared>>) offsets(%arg14 : memref<2000xi32, #tpu.memory_space<vmem>>) semaphore(%arg23 : memref<!tpu.dma_semaphore, #tpu.memory_space<semaphore_mem>>) {add = true}
    %dma_wait3A_169 = arith.constant 0 : i32
    %dma_wait3A_170 = arith.constant 0 : i32
    %dma_wait3A_171 = tpu.memref_slice %arg2[%dma_wait3A_169, %dma_wait3A_170] : memref<10240x16xf32, #tpu.memory_space<hbm>> -> memref<10240x16xf32, #tpu.memory_space<hbm>>
    tpu.wait_indirect_dma semaphore(%arg20 : memref<!tpu.dma_semaphore, #tpu.memory_space<semaphore_mem>>) src(%dma_wait3A_171 : memref<10240x16xf32, #tpu.memory_space<hbm>>) dst(%arg16 : memref<2000x16xf32, #tpu.memory_space<vmem>>)
    %dma_start3A_172 = arith.constant 0 : i32
    %dma_start3A_173 = arith.constant 0 : i32
    %dma_start3A_174 = tpu.memref_slice %arg18[%dma_start3A_172, %dma_start3A_173] : memref<10240x16xf32, #tpu.memory_space<vmem_shared>> -> memref<10240x16xf32, #tpu.memory_space<vmem_shared>>
    tpu.enqueue_indirect_dma source(%arg16 : memref<2000x16xf32, #tpu.memory_space<vmem>>) target(%dma_start3A_174 : memref<10240x16xf32, #tpu.memory_space<vmem_shared>>) offsets(%arg15 : memref<2000xi32, #tpu.memory_space<vmem>>) semaphore(%arg22 : memref<!tpu.dma_semaphore, #tpu.memory_space<semaphore_mem>>) {add = true}
    %dma_wait3A_175 = arith.constant 0 : i32
    %dma_wait3A_176 = arith.constant 0 : i32
    %dma_wait3A_177 = tpu.memref_slice %arg18[%dma_wait3A_175, %dma_wait3A_176] : memref<10240x16xf32, #tpu.memory_space<vmem_shared>> -> memref<10240x16xf32, #tpu.memory_space<vmem_shared>>
    tpu.wait_indirect_dma semaphore(%arg23 : memref<!tpu.dma_semaphore, #tpu.memory_space<semaphore_mem>>) src(%arg17 : memref<2000x16xf32, #tpu.memory_space<vmem>>) dst(%dma_wait3A_177 : memref<10240x16xf32, #tpu.memory_space<vmem_shared>>)
    %dma_wait3A_178 = arith.constant 0 : i32
    %dma_wait3A_179 = arith.constant 0 : i32
    %dma_wait3A_180 = tpu.memref_slice %arg18[%dma_wait3A_178, %dma_wait3A_179] : memref<10240x16xf32, #tpu.memory_space<vmem_shared>> -> memref<10240x16xf32, #tpu.memory_space<vmem_shared>>
    tpu.wait_indirect_dma semaphore(%arg22 : memref<!tpu.dma_semaphore, #tpu.memory_space<semaphore_mem>>) src(%arg16 : memref<2000x16xf32, #tpu.memory_space<vmem>>) dst(%dma_wait3A_180 : memref<10240x16xf32, #tpu.memory_space<vmem_shared>>)
    %barrier3A_181 = arith.constant 0 : index
    tpu.barrier barrier_id(%barrier3A_181)
    %mul3A_182 = arith.constant 640 : i32
    %mul3A_183 = arith.muli %arg1, %mul3A_182 : i32
    %mul3A_184 = arith.constant 640 : i32
    %mul3A_185 = arith.muli %arg1, %mul3A_184 : i32
    "tpu.region"() ({
      %run_scoped3A = tpu.sem_alloc : memref<!tpu.dma_semaphore, #tpu.memory_space<semaphore_mem>>
      %dma_start3A_186 = arith.constant 0 : i32
      %dma_start3A_187 = tpu.memref_slice %arg5[%arg0, %mul3A_185, %dma_start3A_186] : memref<2x10240x16xf32, #tpu.memory_space<hbm>> -> memref<1x640x16xf32, #tpu.memory_space<hbm>>
      %dma_start3A_188 = tpu.memref_squeeze %dma_start3A_187 : memref<1x640x16xf32, #tpu.memory_space<hbm>> -> memref<640x16xf32, #tpu.memory_space<hbm>>
      %dma_start3A_189 = arith.constant 0 : i32
      %dma_start3A_190 = tpu.memref_slice %arg18[%mul3A_183, %dma_start3A_189] : memref<10240x16xf32, #tpu.memory_space<vmem_shared>> -> memref<640x16xf32, #tpu.memory_space<vmem_shared>>
      tpu.enqueue_dma source(%dma_start3A_190 : memref<640x16xf32, #tpu.memory_space<vmem_shared>>) target(%dma_start3A_188 : memref<640x16xf32, #tpu.memory_space<hbm>>) target_semaphore(%run_scoped3A : memref<!tpu.dma_semaphore, #tpu.memory_space<semaphore_mem>>)
      %dma_wait3A_191 = arith.constant 0 : i32
      %dma_wait3A_192 = tpu.memref_slice %arg5[%arg0, %mul3A_185, %dma_wait3A_191] : memref<2x10240x16xf32, #tpu.memory_space<hbm>> -> memref<1x640x16xf32, #tpu.memory_space<hbm>>
      %dma_wait3A_193 = tpu.memref_squeeze %dma_wait3A_192 : memref<1x640x16xf32, #tpu.memory_space<hbm>> -> memref<640x16xf32, #tpu.memory_space<hbm>>
      %dma_wait3A_194 = arith.constant 0 : i32
      %dma_wait3A_195 = tpu.memref_slice %arg18[%mul3A_183, %dma_wait3A_194] : memref<10240x16xf32, #tpu.memory_space<vmem_shared>> -> memref<640x16xf32, #tpu.memory_space<vmem_shared>>
      tpu.wait_dma2 semaphore(%run_scoped3A : memref<!tpu.dma_semaphore, #tpu.memory_space<semaphore_mem>>) src(%dma_wait3A_195 : memref<640x16xf32, #tpu.memory_space<vmem_shared>>) dst(%dma_wait3A_193 : memref<640x16xf32, #tpu.memory_space<hbm>>)
      tpu.yield
    }) : () -> ()
    return
  }
}

module attributes {stable_mosaic.version = 14 : i64} {
  func.func @_mm1_body(%arg0: memref<10000x128xf32, #tpu.memory_space<vmem>>, %arg1: memref<128x16xf32, #tpu.memory_space<vmem>>, %arg2: memref<2x2500x128xi32, #tpu.memory_space<vmem>>, %arg3: memref<1280x128xf32, #tpu.memory_space<vmem>>, %arg4: memref<5000x128xi32, #tpu.memory_space<vmem>>) attributes {dimension_semantics = [], scalar_prefetch = 0 : i64, scratch_operands = 0 : i64, tpu.core_type = #tpu.core_type<tc>} {
    %get3A = arith.constant 0 : index
    %get3A_0 = arith.constant 0 : index
    %get3A_1 = vector.load %arg0[%get3A, %get3A_0] : memref<10000x128xf32, #tpu.memory_space<vmem>>, vector<10000x128xf32>
    %get3A_2 = arith.constant 0 : index
    %get3A_3 = arith.constant 0 : index
    %get3A_4 = vector.load %arg1[%get3A_2, %get3A_3] : memref<128x16xf32, #tpu.memory_space<vmem>>, vector<128x16xf32>
    %dot_general3A = arith.constant dense<0.000000e+00> : vector<10000x16xf32>
    %dot_general3A_5 = tpu.matmul %get3A_1, %get3A_4, %dot_general3A {dimension_numbers = #tpu.dot_dimension_numbers<[1], [0], [0], [1], [0, 0, 1, 1], [], []>, transpose_lhs_hint = false} : vector<10000x128xf32>, vector<128x16xf32>, vector<10000x16xf32> -> vector<10000x16xf32>
    %broadcast_in_dim3A = arith.constant 0.000000e+00 : f32
    %broadcast_in_dim3A_6 = vector.broadcast %broadcast_in_dim3A : f32 to vector<240x16xf32>
    %concatenate3A = tpu.concatenate %dot_general3A_5, %broadcast_in_dim3A_6 in 0 : vector<10000x16xf32>, vector<240x16xf32> -> vector<10240x16xf32>
    %slice3A = vector.extract_strided_slice %concatenate3A {offsets = [0, 0], sizes = [1280, 16], strides = [1, 1]} : vector<10240x16xf32> to vector<1280x16xf32>
    %swap3A = arith.constant 0 : index
    %swap3A_7 = arith.constant 0 : index
    %swap3A_8 = vector.load %arg3[%swap3A, %swap3A_7] : memref<1280x128xf32, #tpu.memory_space<vmem>>, vector<1280x16xf32>
    tpu.vector_store %arg3[%swap3A, %swap3A_7], %slice3A {strides = array<i32>} : memref<1280x128xf32, #tpu.memory_space<vmem>>, vector<1280x16xf32>,
    %slice3A_9 = vector.extract_strided_slice %concatenate3A {offsets = [1280, 0], sizes = [1280, 16], strides = [1, 1]} : vector<10240x16xf32> to vector<1280x16xf32>
    %swap3A_10 = arith.constant 0 : index
    %swap3A_11 = arith.constant 16 : index
    %swap3A_12 = vector.load %arg3[%swap3A_10, %swap3A_11] : memref<1280x128xf32, #tpu.memory_space<vmem>>, vector<1280x16xf32>
    tpu.vector_store %arg3[%swap3A_10, %swap3A_11], %slice3A_9 {strides = array<i32>} : memref<1280x128xf32, #tpu.memory_space<vmem>>, vector<1280x16xf32>,
    %slice3A_13 = vector.extract_strided_slice %concatenate3A {offsets = [2560, 0], sizes = [1280, 16], strides = [1, 1]} : vector<10240x16xf32> to vector<1280x16xf32>
    %swap3A_14 = arith.constant 0 : index
    %swap3A_15 = arith.constant 32 : index
    %swap3A_16 = vector.load %arg3[%swap3A_14, %swap3A_15] : memref<1280x128xf32, #tpu.memory_space<vmem>>, vector<1280x16xf32>
    tpu.vector_store %arg3[%swap3A_14, %swap3A_15], %slice3A_13 {strides = array<i32>} : memref<1280x128xf32, #tpu.memory_space<vmem>>, vector<1280x16xf32>,
    %slice3A_17 = vector.extract_strided_slice %concatenate3A {offsets = [3840, 0], sizes = [1280, 16], strides = [1, 1]} : vector<10240x16xf32> to vector<1280x16xf32>
    %swap3A_18 = arith.constant 0 : index
    %swap3A_19 = arith.constant 48 : index
    %swap3A_20 = vector.load %arg3[%swap3A_18, %swap3A_19] : memref<1280x128xf32, #tpu.memory_space<vmem>>, vector<1280x16xf32>
    tpu.vector_store %arg3[%swap3A_18, %swap3A_19], %slice3A_17 {strides = array<i32>} : memref<1280x128xf32, #tpu.memory_space<vmem>>, vector<1280x16xf32>,
    %slice3A_21 = vector.extract_strided_slice %concatenate3A {offsets = [5120, 0], sizes = [1280, 16], strides = [1, 1]} : vector<10240x16xf32> to vector<1280x16xf32>
    %swap3A_22 = arith.constant 0 : index
    %swap3A_23 = arith.constant 64 : index
    %swap3A_24 = vector.load %arg3[%swap3A_22, %swap3A_23] : memref<1280x128xf32, #tpu.memory_space<vmem>>, vector<1280x16xf32>
    tpu.vector_store %arg3[%swap3A_22, %swap3A_23], %slice3A_21 {strides = array<i32>} : memref<1280x128xf32, #tpu.memory_space<vmem>>, vector<1280x16xf32>,
    %slice3A_25 = vector.extract_strided_slice %concatenate3A {offsets = [6400, 0], sizes = [1280, 16], strides = [1, 1]} : vector<10240x16xf32> to vector<1280x16xf32>
    %swap3A_26 = arith.constant 0 : index
    %swap3A_27 = arith.constant 80 : index
    %swap3A_28 = vector.load %arg3[%swap3A_26, %swap3A_27] : memref<1280x128xf32, #tpu.memory_space<vmem>>, vector<1280x16xf32>
    tpu.vector_store %arg3[%swap3A_26, %swap3A_27], %slice3A_25 {strides = array<i32>} : memref<1280x128xf32, #tpu.memory_space<vmem>>, vector<1280x16xf32>,
    %slice3A_29 = vector.extract_strided_slice %concatenate3A {offsets = [7680, 0], sizes = [1280, 16], strides = [1, 1]} : vector<10240x16xf32> to vector<1280x16xf32>
    %swap3A_30 = arith.constant 0 : index
    %swap3A_31 = arith.constant 96 : index
    %swap3A_32 = vector.load %arg3[%swap3A_30, %swap3A_31] : memref<1280x128xf32, #tpu.memory_space<vmem>>, vector<1280x16xf32>
    tpu.vector_store %arg3[%swap3A_30, %swap3A_31], %slice3A_29 {strides = array<i32>} : memref<1280x128xf32, #tpu.memory_space<vmem>>, vector<1280x16xf32>,
    %slice3A_33 = vector.extract_strided_slice %concatenate3A {offsets = [8960, 0], sizes = [1280, 16], strides = [1, 1]} : vector<10240x16xf32> to vector<1280x16xf32>
    %swap3A_34 = arith.constant 0 : index
    %swap3A_35 = arith.constant 112 : index
    %swap3A_36 = vector.load %arg3[%swap3A_34, %swap3A_35] : memref<1280x128xf32, #tpu.memory_space<vmem>>, vector<1280x16xf32>
    tpu.vector_store %arg3[%swap3A_34, %swap3A_35], %slice3A_33 {strides = array<i32>} : memref<1280x128xf32, #tpu.memory_space<vmem>>, vector<1280x16xf32>,
    %get3A_37 = arith.constant 0 : index
    %get3A_38 = arith.constant 0 : index
    %get3A_39 = arith.constant 0 : index
    %get3A_40 = vector.load %arg2[%get3A_37, %get3A_38, %get3A_39] : memref<2x2500x128xi32, #tpu.memory_space<vmem>>, vector<2x2500x128xi32>
    %convert_element_type3A = arith.sitofp %get3A_40 : vector<2x2500x128xi32> to vector<2x2500x128xf32>
    %mul3A = arith.constant 7.812500e-04 : f32
    %mul3A_41 = vector.broadcast %mul3A : f32 to vector<2x2500x128xf32>
    %mul3A_42 = arith.mulf %convert_element_type3A, %mul3A_41 : vector<2x2500x128xf32>
    %floor3A = math.floor %mul3A_42 : vector<2x2500x128xf32>
    %convert_element_type3A_43 = arith.fptosi %floor3A : vector<2x2500x128xf32> to vector<2x2500x128xi32>
    %mul3A_44 = arith.constant 1280 : i32
    %mul3A_45 = vector.broadcast %mul3A_44 : i32 to vector<2x2500x128xi32>
    %mul3A_46 = arith.muli %convert_element_type3A_43, %mul3A_45 : vector<2x2500x128xi32>
    %sub3A = arith.subi %get3A_40, %mul3A_46 : vector<2x2500x128xi32>
    %mul3A_47 = arith.constant 8 : i32
    %mul3A_48 = vector.broadcast %mul3A_47 : i32 to vector<2x2500x128xi32>
    %mul3A_49 = arith.muli %sub3A, %mul3A_48 : vector<2x2500x128xi32>
    %add3A = arith.addi %mul3A_49, %convert_element_type3A_43 : vector<2x2500x128xi32>
    %reshape3A = vector.shape_cast %add3A : vector<2x2500x128xi32> to vector<5000x128xi32>
    %swap3A_50 = arith.constant 0 : index
    %swap3A_51 = arith.constant 0 : index
    %swap3A_52 = vector.load %arg4[%swap3A_50, %swap3A_51] : memref<5000x128xi32, #tpu.memory_space<vmem>>, vector<5000x128xi32>
    tpu.vector_store %arg4[%swap3A_50, %swap3A_51], %reshape3A {strides = array<i32>} : memref<5000x128xi32, #tpu.memory_space<vmem>>, vector<5000x128xi32>,
    return
  }
}

module attributes {stable_mosaic.version = 14 : i64} {
  func.func @_mid_body(%arg0: memref<2560x128xf32, #tpu.memory_space<vmem>>, %arg1: memref<16x16xf32, #tpu.memory_space<vmem>>, %arg2: memref<1280x128xf32, #tpu.memory_space<vmem>>) attributes {dimension_semantics = [], scalar_prefetch = 0 : i64, scratch_operands = 0 : i64, tpu.core_type = #tpu.core_type<tc>} {
    %get3A = arith.constant 0 : index
    %get3A_0 = arith.constant 0 : index
    %get3A_1 = vector.load %arg0[%get3A, %get3A_0] : memref<2560x128xf32, #tpu.memory_space<vmem>>, vector<1280x128xf32>
    %get3A_2 = arith.constant 1280 : index
    %get3A_3 = arith.constant 0 : index
    %get3A_4 = vector.load %arg0[%get3A_2, %get3A_3] : memref<2560x128xf32, #tpu.memory_space<vmem>>, vector<1280x128xf32>
    %add3A = arith.addf %get3A_1, %get3A_4 : vector<1280x128xf32>
    %max3A = arith.constant 0.000000e+00 : f32
    %max3A_5 = vector.broadcast %max3A : f32 to vector<1280x128xf32>
    %max3A_6 = arith.maximumf %add3A, %max3A_5 : vector<1280x128xf32>
    %get3A_7 = arith.constant 0 : index
    %get3A_8 = arith.constant 0 : index
    %get3A_9 = vector.load %arg1[%get3A_7, %get3A_8] : memref<16x16xf32, #tpu.memory_space<vmem>>, vector<16x16xf32>
    %tile3A = tpu.concatenate %get3A_9, %get3A_9, %get3A_9, %get3A_9, %get3A_9, %get3A_9, %get3A_9, %get3A_9 in 0 : vector<16x16xf32>, vector<16x16xf32>, vector<16x16xf32>, vector<16x16xf32>, vector<16x16xf32>, vector<16x16xf32>, vector<16x16xf32>, vector<16x16xf32> -> vector<128x16xf32>
    %tile3A_10 = tpu.concatenate %tile3A, %tile3A, %tile3A, %tile3A, %tile3A, %tile3A, %tile3A, %tile3A in 1 : vector<128x16xf32>, vector<128x16xf32>, vector<128x16xf32>, vector<128x16xf32>, vector<128x16xf32>, vector<128x16xf32>, vector<128x16xf32>, vector<128x16xf32> -> vector<128x128xf32>
    %iota3A = tpu.iota {dimensions = array<i32: 0>} : vector<128x128xi32>
    %jit3A = arith.constant 16 : i32
    %div3A = vector.broadcast %jit3A : i32 to vector<128x128xi32>
    %div3A_11 = arith.divsi %iota3A, %div3A : vector<128x128xi32>
    %sign3A = arith.constant 0 : i32
    %sign3A_12 = vector.broadcast %sign3A : i32 to vector<128x128xi32>
    %sign3A_13 = arith.cmpi sgt, %iota3A, %sign3A_12 : vector<128x128xi32>
    %sign3A_14 = arith.extui %sign3A_13 : vector<128x128xi1> to vector<128x128xi32>
    %sign3A_15 = arith.constant 0 : i32
    %sign3A_16 = vector.broadcast %sign3A_15 : i32 to vector<128x128xi32>
    %sign3A_17 = arith.cmpi slt, %iota3A, %sign3A_16 : vector<128x128xi32>
    %sign3A_18 = arith.extui %sign3A_17 : vector<128x128xi1> to vector<128x128xi32>
    %sign3A_19 = arith.subi %sign3A_14, %sign3A_18 : vector<128x128xi32>
    %sign3A_20 = arith.constant 0 : i32
    %sign3A_21 = arith.cmpi sgt, %jit3A, %sign3A_20 : i32
    %sign3A_22 = arith.extui %sign3A_21 : i1 to i32
    %sign3A_23 = arith.constant 0 : i32
    %sign3A_24 = arith.cmpi slt, %jit3A, %sign3A_23 : i32
    %sign3A_25 = arith.extui %sign3A_24 : i1 to i32
    %sign3A_26 = arith.subi %sign3A_22, %sign3A_25 : i32
    %ne3A = vector.broadcast %sign3A_26 : i32 to vector<128x128xi32>
    %ne3A_27 = arith.cmpi ne, %sign3A_19, %ne3A : vector<128x128xi32>
    %rem3A = vector.broadcast %jit3A : i32 to vector<128x128xi32>
    %rem3A_28 = arith.remsi %iota3A, %rem3A : vector<128x128xi32>
    %ne3A_29 = arith.constant 0 : i32
    %ne3A_30 = vector.broadcast %ne3A_29 : i32 to vector<128x128xi32>
    %ne3A_31 = arith.cmpi ne, %rem3A_28, %ne3A_30 : vector<128x128xi32>
    %and3A = arith.andi %ne3A_27, %ne3A_31 : vector<128x128xi1>
    %sub3A = arith.constant 1 : i32
    %sub3A_32 = vector.broadcast %sub3A : i32 to vector<128x128xi32>
    %sub3A_33 = arith.subi %div3A_11, %sub3A_32 : vector<128x128xi32>
    %select_n3A = arith.select %and3A, %sub3A_33, %div3A_11 : vector<128x128xi1>, vector<128x128xi32>
    %iota3A_34 = tpu.iota {dimensions = array<i32: 1>} : vector<128x128xi32>
    %jit3A_35 = arith.constant 16 : i32
    %div3A_36 = vector.broadcast %jit3A_35 : i32 to vector<128x128xi32>
    %div3A_37 = arith.divsi %iota3A_34, %div3A_36 : vector<128x128xi32>
    %sign3A_38 = arith.constant 0 : i32
    %sign3A_39 = vector.broadcast %sign3A_38 : i32 to vector<128x128xi32>
    %sign3A_40 = arith.cmpi sgt, %iota3A_34, %sign3A_39 : vector<128x128xi32>
    %sign3A_41 = arith.extui %sign3A_40 : vector<128x128xi1> to vector<128x128xi32>
    %sign3A_42 = arith.constant 0 : i32
    %sign3A_43 = vector.broadcast %sign3A_42 : i32 to vector<128x128xi32>
    %sign3A_44 = arith.cmpi slt, %iota3A_34, %sign3A_43 : vector<128x128xi32>
    %sign3A_45 = arith.extui %sign3A_44 : vector<128x128xi1> to vector<128x128xi32>
    %sign3A_46 = arith.subi %sign3A_41, %sign3A_45 : vector<128x128xi32>
    %sign3A_47 = arith.constant 0 : i32
    %sign3A_48 = arith.cmpi sgt, %jit3A_35, %sign3A_47 : i32
    %sign3A_49 = arith.extui %sign3A_48 : i1 to i32
    %sign3A_50 = arith.constant 0 : i32
    %sign3A_51 = arith.cmpi slt, %jit3A_35, %sign3A_50 : i32
    %sign3A_52 = arith.extui %sign3A_51 : i1 to i32
    %sign3A_53 = arith.subi %sign3A_49, %sign3A_52 : i32
    %ne3A_54 = vector.broadcast %sign3A_53 : i32 to vector<128x128xi32>
    %ne3A_55 = arith.cmpi ne, %sign3A_46, %ne3A_54 : vector<128x128xi32>
    %rem3A_56 = vector.broadcast %jit3A_35 : i32 to vector<128x128xi32>
    %rem3A_57 = arith.remsi %iota3A_34, %rem3A_56 : vector<128x128xi32>
    %ne3A_58 = arith.constant 0 : i32
    %ne3A_59 = vector.broadcast %ne3A_58 : i32 to vector<128x128xi32>
    %ne3A_60 = arith.cmpi ne, %rem3A_57, %ne3A_59 : vector<128x128xi32>
    %and3A_61 = arith.andi %ne3A_55, %ne3A_60 : vector<128x128xi1>
    %sub3A_62 = arith.constant 1 : i32
    %sub3A_63 = vector.broadcast %sub3A_62 : i32 to vector<128x128xi32>
    %sub3A_64 = arith.subi %div3A_37, %sub3A_63 : vector<128x128xi32>
    %select_n3A_65 = arith.select %and3A_61, %sub3A_64, %div3A_37 : vector<128x128xi1>, vector<128x128xi32>
    %eq3A = arith.cmpi eq, %select_n3A, %select_n3A_65 : vector<128x128xi32>
    %jit3A_66 = arith.constant 0.000000e+00 : f32
    %broadcast_in_dim3A = vector.broadcast %jit3A_66 : f32 to vector<128x128xf32>
    %select_n3A_67 = arith.select %eq3A, %tile3A_10, %broadcast_in_dim3A : vector<128x128xi1>, vector<128x128xf32>
    %dot_general3A = arith.constant dense<0.000000e+00> : vector<1280x128xf32>
    %dot_general3A_68 = tpu.matmul %max3A_6, %select_n3A_67, %dot_general3A {dimension_numbers = #tpu.dot_dimension_numbers<[1], [0], [0], [1], [0, 0, 1, 1], [], []>, transpose_lhs_hint = false} : vector<1280x128xf32>, vector<128x128xf32>, vector<1280x128xf32> -> vector<1280x128xf32>
    %swap3A = arith.constant 0 : index
    %swap3A_69 = arith.constant 0 : index
    %swap3A_70 = vector.load %arg2[%swap3A, %swap3A_69] : memref<1280x128xf32, #tpu.memory_space<vmem>>, vector<1280x128xf32>
    tpu.vector_store %arg2[%swap3A, %swap3A_69], %dot_general3A_68 {strides = array<i32>} : memref<1280x128xf32, #tpu.memory_space<vmem>>, vector<1280x128xf32>,
    return
  }
}

module attributes {stable_mosaic.version = 14 : i64} {
  func.func @_sum_body(%arg0: memref<2560x128xf32, #tpu.memory_space<vmem>>, %arg1: memref<10000x16xf32, #tpu.memory_space<vmem>>) attributes {dimension_semantics = [], scalar_prefetch = 0 : i64, scratch_operands = 0 : i64, tpu.core_type = #tpu.core_type<tc>} {
    %get3A = arith.constant 0 : index
    %get3A_0 = arith.constant 0 : index
    %get3A_1 = vector.load %arg0[%get3A, %get3A_0] : memref<2560x128xf32, #tpu.memory_space<vmem>>, vector<1280x128xf32>
    %get3A_2 = arith.constant 1280 : index
    %get3A_3 = arith.constant 0 : index
    %get3A_4 = vector.load %arg0[%get3A_2, %get3A_3] : memref<2560x128xf32, #tpu.memory_space<vmem>>, vector<1280x128xf32>
    %add3A = arith.addf %get3A_1, %get3A_4 : vector<1280x128xf32>
    %slice3A = vector.extract_strided_slice %add3A {offsets = [0, 0], sizes = [1280, 16], strides = [1, 1]} : vector<1280x128xf32> to vector<1280x16xf32>
    %swap3A = arith.constant 0 : index
    %swap3A_5 = arith.constant 0 : index
    %swap3A_6 = vector.load %arg1[%swap3A, %swap3A_5] : memref<10000x16xf32, #tpu.memory_space<vmem>>, vector<1280x16xf32>
    tpu.vector_store %arg1[%swap3A, %swap3A_5], %slice3A {strides = array<i32>} : memref<10000x16xf32, #tpu.memory_space<vmem>>, vector<1280x16xf32>,
    %slice3A_7 = vector.extract_strided_slice %add3A {offsets = [0, 16], sizes = [1280, 16], strides = [1, 1]} : vector<1280x128xf32> to vector<1280x16xf32>
    %swap3A_8 = arith.constant 1280 : index
    %swap3A_9 = arith.constant 0 : index
    %swap3A_10 = vector.load %arg1[%swap3A_8, %swap3A_9] : memref<10000x16xf32, #tpu.memory_space<vmem>>, vector<1280x16xf32>
    tpu.vector_store %arg1[%swap3A_8, %swap3A_9], %slice3A_7 {strides = array<i32>} : memref<10000x16xf32, #tpu.memory_space<vmem>>, vector<1280x16xf32>,
    %slice3A_11 = vector.extract_strided_slice %add3A {offsets = [0, 32], sizes = [1280, 16], strides = [1, 1]} : vector<1280x128xf32> to vector<1280x16xf32>
    %swap3A_12 = arith.constant 2560 : index
    %swap3A_13 = arith.constant 0 : index
    %swap3A_14 = vector.load %arg1[%swap3A_12, %swap3A_13] : memref<10000x16xf32, #tpu.memory_space<vmem>>, vector<1280x16xf32>
    tpu.vector_store %arg1[%swap3A_12, %swap3A_13], %slice3A_11 {strides = array<i32>} : memref<10000x16xf32, #tpu.memory_space<vmem>>, vector<1280x16xf32>,
    %slice3A_15 = vector.extract_strided_slice %add3A {offsets = [0, 48], sizes = [1280, 16], strides = [1, 1]} : vector<1280x128xf32> to vector<1280x16xf32>
    %swap3A_16 = arith.constant 3840 : index
    %swap3A_17 = arith.constant 0 : index
    %swap3A_18 = vector.load %arg1[%swap3A_16, %swap3A_17] : memref<10000x16xf32, #tpu.memory_space<vmem>>, vector<1280x16xf32>
    tpu.vector_store %arg1[%swap3A_16, %swap3A_17], %slice3A_15 {strides = array<i32>} : memref<10000x16xf32, #tpu.memory_space<vmem>>, vector<1280x16xf32>,
    %slice3A_19 = vector.extract_strided_slice %add3A {offsets = [0, 64], sizes = [1280, 16], strides = [1, 1]} : vector<1280x128xf32> to vector<1280x16xf32>
    %swap3A_20 = arith.constant 5120 : index
    %swap3A_21 = arith.constant 0 : index
    %swap3A_22 = vector.load %arg1[%swap3A_20, %swap3A_21] : memref<10000x16xf32, #tpu.memory_space<vmem>>, vector<1280x16xf32>
    tpu.vector_store %arg1[%swap3A_20, %swap3A_21], %slice3A_19 {strides = array<i32>} : memref<10000x16xf32, #tpu.memory_space<vmem>>, vector<1280x16xf32>,
    %slice3A_23 = vector.extract_strided_slice %add3A {offsets = [0, 80], sizes = [1280, 16], strides = [1, 1]} : vector<1280x128xf32> to vector<1280x16xf32>
    %swap3A_24 = arith.constant 6400 : index
    %swap3A_25 = arith.constant 0 : index
    %swap3A_26 = vector.load %arg1[%swap3A_24, %swap3A_25] : memref<10000x16xf32, #tpu.memory_space<vmem>>, vector<1280x16xf32>
    tpu.vector_store %arg1[%swap3A_24, %swap3A_25], %slice3A_23 {strides = array<i32>} : memref<10000x16xf32, #tpu.memory_space<vmem>>, vector<1280x16xf32>,
    %slice3A_27 = vector.extract_strided_slice %add3A {offsets = [0, 96], sizes = [1280, 16], strides = [1, 1]} : vector<1280x128xf32> to vector<1280x16xf32>
    %swap3A_28 = arith.constant 7680 : index
    %swap3A_29 = arith.constant 0 : index
    %swap3A_30 = vector.load %arg1[%swap3A_28, %swap3A_29] : memref<10000x16xf32, #tpu.memory_space<vmem>>, vector<1280x16xf32>
    tpu.vector_store %arg1[%swap3A_28, %swap3A_29], %slice3A_27 {strides = array<i32>} : memref<10000x16xf32, #tpu.memory_space<vmem>>, vector<1280x16xf32>,
    %slice3A_31 = vector.extract_strided_slice %add3A {offsets = [0, 112], sizes = [1040, 16], strides = [1, 1]} : vector<1280x128xf32> to vector<1040x16xf32>
    %swap3A_32 = arith.constant 8960 : index
    %swap3A_33 = arith.constant 0 : index
    %swap3A_34 = vector.load %arg1[%swap3A_32, %swap3A_33] : memref<10000x16xf32, #tpu.memory_space<vmem>>, vector<1040x16xf32>
    tpu.vector_store %arg1[%swap3A_32, %swap3A_33], %slice3A_31 {strides = array<i32>} : memref<10000x16xf32, #tpu.memory_space<vmem>>, vector<1040x16xf32>,
    return
  }
}

</mosaic_0001>

<sc_bundles>
// kernel: kernel.10.cloned.1.call-start
scs
__scs_entry_jumppad:
0x0: {  	(pc) =	sbr.rel $0x88, $3  }
0x1: {  	(tag) =	ssettag $0x0;
	lr =	simm.s32 $0x1  }
0x2: {  	[smem:$0x3F9D] =	sst lr;
	_ =	strace $0xD0000000  }
0x3: {  	_ = 	snop  }
0x4: {  	_ = 	snop  }
0x5: {  	_ = 	snop  }
0x6: {  	_ = 	snop  }
0x7: {  	_ = 	snop  }
__scs_overlays_trampoline_lowered:
0x8: {  	[smem:$0x3FAC] =	sst s0  }
0x9: {  	[smem:$0x3FAD] =	sst s1  }
0xa: {  	[smem:$0x3FAE] =	sst s2  }
0xb: {  	[smem:$0x3FAF] =	sst s3  }
0xc: {  	[smem:$0x3FB0] =	sst s4  }
0xd: {  	[smem:$0x3FB1] =	sst s5  }
0xe: {  	[smem:$0x3FB2] =	sst s6  }
0xf: {  	[smem:$0x3FB3] =	sst s7  }
0x10: {  	[smem:$0x3FB4] =	sst s8  }
0x11: {  	[smem:$0x3FB5] =	sst s9;
	s0 =	simm.s32 @!p0 $0x0  }
0x12: {  	s1 =	sld [smem:$0x3F9B];
	s0 =	simm.s32 @p0 $0x1  }
0x13: {  	[smem:$0x3FB6] =	sst s0;
	s0 =	simm.s32 @!p1 $0x0  }
0x14: {  	s2 =	sld [smem:$0x3F9A];
	s0 =	simm.s32 @p1 $0x1  }
0x15: {  	[smem:$0x3FB7] =	sst s0;
	s0 =	simm.s32 @!p2 $0x0  }
0x16: {  	s3 =	sld [smem:$0x3FDB];
	s0 =	simm.s32 @p2 $0x1  }
0x17: {  	s4 =	simm.s32 $0x1BF5;
	[smem:$0x3FB9] =	sst s0  }
0x18: {  	s0 =	sld [smem:$0x3F9C];
	_ =	swait.ge [sflag:s4], $0x0  }
0x19: {  	s7 =	sld [smem:$0x3F9D]  }
0x1a: {  	s8 =	sadd.s32 $0xFFFFE003, lr  }
0x1b: {  	s9 =	sadd.s32 $0xFFFFFEF7, lr;
	s5 =	simm.s32 $0xFFFFFFFF;
	p2 =	slt.u32 s8, $0xFFFFF086  }
0x1c: {  	p1 =	slt.u32 s9, $0xF7A;
	s5 =	simm.s32 @!p2 $0x0  }
0x1d: {  	s5 =	simm.s32 @p1 $0x1;
	p0 =	seq.s32 s7, s2  }
0x1e: {  	s7 =	smul.u32 @!p0 $0xF7A, s2;
	p2 =	seq.s32 @!p0 s5, $0x0  }
0x1f: {  	s9 =	smul.u32 $0xF7A, s1;
	s8 =	simm.s32 @!p0 $0x1BF5;
	p2 =	por !p2, p0  }
0x20: {  	[sflag:s8] =	ssyncset.s32 @!p0 $0xFFFFF086;
	s6 =	sadd.s32 @!p0 s3, s7;
	s7 =	simm.s32 @!p0 $0x108  }
0x21: {  	s3 =	sadd.s32 s3, s9;
	s6 =	sadd.s32 @!p0 $0x88, s6;
	s7 =	simm.s32 @p2 $0x1082  }
0x22: {  	[simem:s7], [sflag:s8] =	dma.local @!p0 [hbm:s6], $0xF7A  }
0x23: {  	s9 =	sor.u32 $0xD0000000, s2;
	s6 =	simm.s32 $0x108;
	_ =	swait.ge @!p0 [sflag:s8], $0x0  }
0x24: {  	s3 =	sadd.s32 $0x88, s3;
	s6 =	simm.s32 @!p1 $0x1082;
	[sflag:s4] =	ssyncset.s32 $0xFFFFF086  }
0x25: {  	[simem:s6], [sflag:s4] =	dma.local [hbm:s3], $0xF7A  }
0x26: {  	[smem:$0x3F9D] =	sst s1;
	(tag) =	ssettag s2;
	_ =	strace s9  }
0x27: {  	s1 =	sld [smem:$0x3FAD]  }
0x28: {  	s2 =	sld [smem:$0x3FAE]  }
0x29: {  	s4 =	sld [smem:$0x3FB0]  }
0x2a: {  	p0 =	seq.s32 s5, $0x0;
	s5 =	sld [smem:$0x3FB1]  }
0x2b: {  	s6 =	sld [smem:$0x3FB2]  }
0x2c: {  	s7 =	sld [smem:$0x3FB3]  }
0x2d: {  	s3 =	simm.s32 $0x108;
	s8 =	sld [smem:$0x3FB4]  }
0x2e: {  	s3 =	simm.s32 @!p0 $0x1082;
	s9 =	sld [smem:$0x3FB5]  }
0x2f: {  	lr =	sadd.s32 s0, s3;
	s0 =	sld [smem:$0x3FAC]  }
0x30: {  	s3 =	sld [smem:$0x3FAF]  }
0x31: {  	[smem:$0x3FB8] =	sst s10  }
0x32: {  	s10 =	sld [smem:$0x3FB6];
	_ =	sdelay $0x3  }
0x33: {  	p0 =	seq.s32 s10, $0x1;
	s10 =	sld [smem:$0x3FB8];
	_ =	sdelay $0x3  }
0x34: {  	[smem:$0x3FB8] =	sst s10  }
0x35: {  	s10 =	sld [smem:$0x3FB7];
	_ =	sdelay $0x3  }
0x36: {  	p1 =	seq.s32 s10, $0x1;
	s10 =	sld [smem:$0x3FB8];
	_ =	sdelay $0x3  }
0x37: {  	[smem:$0x3FB8] =	sst s10  }
0x38: {  	s10 =	sld [smem:$0x3FB9]  }
0x39: {  	_ = 	snop;
	(pc) =	sbr.ind lr, $3  }
0x3a: {  	_ = 	snop  }
0x3b: {  	_ = 	snop  }
0x3c: {  	p2 =	seq.s32 s10, $0x1;
	s10 =	sld [smem:$0x3FB8]  }
0x3d: {  	_ =	shalt  }
0x3e: {  	_ =	shalt  }
0x3f: {  	_ =	shalt  }
0x40: {  	_ =	shalt  }
0x41: {  	_ =	shalt  }
0x42: {  	_ =	shalt  }
0x43: {  	_ =	shalt  }
0x44: {  	_ =	shalt  }
0x45: {  	_ =	shalt  }
0x46: {  	_ =	shalt  }
0x47: {  	_ =	shalt  }
0x48: {  	_ =	shalt  }
0x49: {  	_ =	shalt  }
0x4a: {  	_ =	shalt  }
0x4b: {  	_ =	shalt  }
0x4c: {  	_ =	shalt  }
0x4d: {  	_ =	shalt  }
0x4e: {  	_ =	shalt  }
0x4f: {  	_ =	shalt  }
0x50: {  	_ =	shalt  }
0x51: {  	_ =	shalt  }
0x52: {  	_ =	shalt  }
0x53: {  	_ =	shalt  }
0x54: {  	_ =	shalt  }
0x55: {  	_ =	shalt  }
0x56: {  	_ =	shalt  }
0x57: {  	_ =	shalt  }
0x58: {  	_ =	shalt  }
0x59: {  	_ =	shalt  }
0x5a: {  	_ =	shalt  }
0x5b: {  	_ =	shalt  }
0x5c: {  	_ =	shalt  }
0x5d: {  	_ =	shalt  }
0x5e: {  	_ =	shalt  }
0x5f: {  	_ =	shalt  }
0x60: {  	_ =	shalt  }
0x61: {  	_ =	shalt  }
0x62: {  	_ =	shalt  }
0x63: {  	_ =	shalt  }
0x64: {  	_ =	shalt  }
0x65: {  	_ =	shalt  }
0x66: {  	_ =	shalt  }
0x67: {  	_ =	shalt  }
0x68: {  	_ =	shalt  }
0x69: {  	_ =	shalt  }
0x6a: {  	_ =	shalt  }
0x6b: {  	_ =	shalt  }
0x6c: {  	_ =	shalt  }
0x6d: {  	_ =	shalt  }
0x6e: {  	_ =	shalt  }
0x6f: {  	_ =	shalt  }
0x70: {  	_ =	shalt  }
0x71: {  	_ =	shalt  }
0x72: {  	_ =	shalt  }
0x73: {  	_ =	shalt  }
0x74: {  	_ =	shalt  }
0x75: {  	_ =	shalt  }
0x76: {  	_ =	shalt  }
0x77: {  	_ =	shalt  }
0x78: {  	_ =	shalt  }
0x79: {  	_ =	shalt  }
0x7a: {  	_ =	shalt  }
0x7b: {  	_ =	shalt  }
0x7c: {  	_ =	shalt  }
0x7d: {  	_ =	shalt  }
0x7e: {  	_ =	shalt  }
0x7f: {  	_ =	shalt  }
0x80: {  	_ =	shalt  }
0x81: {  	_ =	shalt  }
0x82: {  	_ =	shalt  }
0x83: {  	_ =	shalt  }
0x84: {  	_ =	shalt  }
0x85: {  	_ =	shalt  }
0x86: {  	_ =	shalt  }
0x87: {  	_ =	shalt  }
.Lfunc_end0:
.L_simem_size_0:
called_computation.1_lowered:
.L_overlay_start_0:
0x88: {  	s2 =	sld [smem:$0x3FD9]  }
0x89: {  	s3 =	sld [smem:$0x3FFE];
	_ =	sdelay $0x1  }
0x8a: {  	s1 =	srdreg.scid  }
0x8b: {  	s0 =	sand.u32 $0x1, s1  }
0x8c: {  	s17 =	sshll.u32 s0, $0xA;
	s2 =	sadd.s32 s3, s2  }
0x8d: {  	s2 =	sadd.s32 s2, s17  }
0x8e: {  	[smem:$0x3FC4] =	sst s2  }
0x8f: {  	_ = 	snop  }
0x90: {  	s2 =	sld [smem:$0x3FD0];
	(tm) =	ssettm $0x1  }
0x91: {  	s18 =	sld [smem:$0x3FFB];
	_ =	sdelay $0x3  }
0x92: {  	_ =	strace s18  }
0x93: {  	s3 =	sld [smem:$0x3FFC];
	_ =	sdelay $0x3  }
0x94: {  	_ =	strace s3  }
0x95: {  	s3 =	sld [smem:$0x3FFD];
	_ =	sdelay $0x3  }
0x96: {  	_ =	strace s3  }
0x97: {  	_ =	strace $0x8FFFFFFF  }
0x98: {  	s19 =	sld [smem:$0x3FDB];
	_ =	sdelay $0x1  }
0x99: {  	s4 =	simm.s32 $_scs_section_size  }
0x9a: {  	s5 =	simm.s32 $_size__tile_overlayer_lowered;
	s6 =	simm.s32 $_tile_overlayer_lowered  }
0x9b: {  	s22 =	simm.s32 $0x1BFF;
	s21 =	sshll.u32 s6, $0x1;
	s3 =	sadd.s32 s4, s19  }
0x9c: {  	s7 =	simm.s32 $0x0;
	s20 =	sshll.u32 s5, $0x1;
	s5 =	sadd.s32 s21, s3  }
0x9d: {  	[timem:s7], [sflag:s22] =	dma.local [hbm:s5], s20  }
0x9e: {  	_ =	swait.ge [sflag:s22], s20  }
0x9f: {  	s4 =	ssub.s32 $0x0, s20;
	[sflag:s22] =	ssyncset.done $0x0  }
0xa0: {  	[sflag:s22] =	ssyncadd.s32 s4;
	_ =	sdelay $0x1  }
0xa1: {  	s23 =	simm.s32 $0x1B8B  }
0xa2: {  	_ =	swait.ge [sflag:s23], $0x1  }
0xa3: {  	[sflag:s23] =	ssyncset.done $0x0  }
0xa4: {  	s25 =	simm.s32 $0x1B8E;
	s24 =	sld [smem:$0x3FFE];
	[sflag:s23] =	ssyncadd.s32 $0xFFFFFFFF  }
0xa5: {  	s26 =	simm.s32 $execute0_lowered;
	[smem:$0x3FD2] =	sst s25  }
0xa6: {  	s5 =	sshll.u32 s26, $0x1;
	_ =	strace $0x80000049;
	[dreg:$0x1] =	wrdreg $0xFFFFFFFF  }
0xa7: {  	s28 =	simm.s32 $_size_execute0_lowered;
	s3 =	sadd.s32 s3, s5;
	[dreg:$0x0] =	wrdreg $0x0  }
0xa8: {  	s5 =	sshll.u32 s28, $0x1;
	[dreg:$0x2] =	wrdreg s3  }
0xa9: {  	[dreg:$0x3] =	wrdreg s5  }
0xaa: {  	[dreg:$0x4] =	wrdreg $0xC0  }
0xab: {  	_ =	task [dreg:s7], $0x5FFFF  }
0xac: {  	[dreg:$0x1] =	wrdreg $0xFFFFFFFF  }
0xad: {  	[dreg:$0x0] =	wrdreg $0x60  }
0xae: {  	[dreg:$0x2] =	wrdreg s24  }
0xaf: {  	[dreg:$0x3] =	wrdreg s2  }
0xb0: {  	[dreg:$0x4] =	wrdreg $0x148200  }
0xb1: {  	[dreg:$0x5] =	wrdreg $0x9  }
0xb2: {  	_ =	task.clear_ibuf [dreg:s7], $0x6FFFF;
	_ =	strace $0x90000049  }
0xb3: {  	s29 =	simm.s32 $0x9;
	_ =	strace $0x8000004B  }
0xb4: {  	_ =	swait.ge [sflag:s29], $0x1  }
0xb5: {  	[sflag:s29] =	ssyncadd.s32 $0xFFFFFFFF  }
0xb6: {  	_ =	strace $0x9000004B  }
0xb7: {  	_ =	sfence  }
0xb8: {  	s30 =	sld [smem:$0x0];
	_ =	sdelay $0x2  }
0xb9: {  	s31 =	sshll.u32 s1, $0xD;
	s1 =	sshrl.u32 s1, $0x2  }
0xba: {  	s3 =	sand.u32 $0x4000, s31;
	s1 =	sadd.s32 s1, s30  }
0xbb: {  	s0 =	sor.u32 s3, s0;
	s1 =	sshll.u32 s1, $0x11  }
0xbc: {  	s0 =	sor.u32 s1, s0  }
0xbd: {  	s0 =	sadd.s32 $0x8F2B, s0  }
0xbe: {  	[sflag:s0] =	ssyncadd.remote.s32 $0x1  }
0xbf: {  	_ =	sfence.sel $0xFFFF  }
0xc0: {  	[dreg:$0x0] =	wrdreg $0xFFFFFFFF;
	(pc) =	sbr.abs _section_cstart, $3  }
0xc1: {  	[dreg:$0x1] =	wrdreg $0xFFFFFFFF  }
0xc2: {  	_ =	task.clear_ibuf [dreg:s7], $0x2FFFF;
	_ =	strace $0x9FFFFFFF  }
0xc3: {  	(tm) =	ssettm $0x7FFFFFFF  }
tec
execute0_lowered:
.L_overlay_start_1:
0x0: {  	(tag) =	ssettag $0x1  }
0x1: {  	s0 =	srdreg.scid  }
0x2: {  	s31 =	sand.u32 $0x1, s0  }
0x3: {  	s16 =	stileid.u32;
	s0 =	sshll.u32 s31, $0x4  }
0x4: {  	s0 =	sor.u32 s16, s0  }
0x5: {  	s24 =	rddreg [dreg:$0x0];
	s0 =	smul.u32 $0x2710, s0  }
0x6: {  	s2 =	rddreg [dreg:$0x1]  }
0x7: {  	[dreg:$0x4] =	wrdreg s2;
	s0 =	sshrl.u32 s0, $0x3  }
0x8: {  	s3 =	simm.s32 $0x0;
	s2 =	rddreg [dreg:$0x2];
	s14 =	sadd.s32 s0, s24  }
0x9: {  	[smem:$0x7FF] =	sst s3;
	s0 =	sadd.s32 $0x1800, s14  }
0xa: {  	_ =	strace $0x8000004A;
	s5 =	sadd.s32 $0xB440, s14;
	[dreg:$0x5] =	wrdreg s0  }
0xb: {  	s6 =	sadd.s32 $0x18FA, s14;
	[dreg:$0x6] =	wrdreg s5  }
0xc: {  	s7 =	sadd.s32 $0xB53A, s14;
	[dreg:$0x7] =	wrdreg s6  }
0xd: {  	[dreg:$0x8] =	wrdreg s7  }
0xe: {  	s4 =	rddreg [dreg:$0x5]  }
0xf: {  	[tilespmem:s3], [sflag:$0x1] =	stream.linear.gather [hbm4b:s4+s3], $0x7D0, $0x38;
	[tilespmem:$0x17020] =	vst v63  }
0x10: {  	s8 =	rddreg [dreg:$0x6];
	s4 =	simm.s32 $0x2710  }
0x11: {  	[tilespmem:s4], [sflag:$0x1] =	stream.linear.gather [hbm4b:s8+s3], $0x7D0, $0x38;
	[tilespmem:$0x17020] =	vst v63  }
0x12: {  	s5 =	simm.s32 $0x7D0;
	s6 =	rddreg [dreg:$0x7]  }
0x13: {  	[tilespmem:s5], [sflag:$0x1] =	stream.linear.gather [hbm4b:s6+s3], $0x7D0, $0x38;
	[tilespmem:$0x17020] =	vst v63  }
0x14: {  	s9 =	simm.s32 $0x2EE0;
	s29 =	simm.s32 $0xFA0;
	s7 =	rddreg [dreg:$0x8]  }
0x15: {  	[tilespmem:s9], [sflag:$0x1] =	stream.linear.gather [hbm4b:s7+s3], $0x7D0, $0x38;
	[tilespmem:$0x17020] =	vst v63  }
0x16: {  	s12 =	simm.s32 $0x36B0;
	s15 =	simm.s32 $0x1770;
	s26 =	sadd.s32 $0x19F4, s14  }
0x17: {  	[tilespmem:s29], [sflag:$0x1] =	stream.linear.gather [hbm4b:s26+s3], $0x7D0, $0x38;
	[tilespmem:$0x17020] =	vst v63  }
0x18: {  	s18 =	simm.s32 $0x1F40;
	s20 =	simm.s32 $0x4650;
	s7 =	sadd.s32 $0xB634, s14  }
0x19: {  	[tilespmem:s12], [sflag:$0x1] =	stream.linear.gather [hbm4b:s7+s3], $0x7D0, $0x38;
	[tilespmem:$0x17020] =	vst v63  }
0x1a: {  	s1 =	smul.u32 $0x2800, s16;
	s17 =	sshll.u32 s16, $0x6;
	s10 =	sadd.s32 $0x1AEE, s14  }
0x1b: {  	[tilespmem:s15], [sflag:$0x1] =	stream.linear.gather [hbm4b:s10+s3], $0x7D0, $0x38;
	[tilespmem:$0x17020] =	vst v63  }
0x1c: {  	s17 =	sor.u32 $0x1C06, s17;
	s16 =	simm.s32 $0x3E80;
	s11 =	sadd.s32 $0xB72E, s14  }
0x1d: {  	[tilespmem:s16], [sflag:$0x1] =	stream.linear.gather [hbm4b:s11+s3], $0x7D0, $0x38;
	[tilespmem:$0x17020] =	vst v63  }
0x1e: {  	s19 =	sadd.s32 s1, s2;
	s22 =	rddreg [dreg:$0x4];
	s13 =	sadd.s32 $0x1BE8, s14  }
0x1f: {  	[tilespmem:s18], [sflag:$0x1] =	stream.linear.gather [hbm4b:s13+s3], $0x7D0, $0x38;
	[tilespmem:$0x17020] =	vst v63  }
0x20: {  	s21 =	sshrl.u32 s19, $0x3;
	s19 =	simm.s32 $0x6;
	s14 =	sadd.s32 $0xB828, s14  }
0x21: {  	[tilespmem:s20], [sflag:$0x1] =	stream.linear.gather [hbm4b:s14+s3], $0x7D0, $0x38;
	[tilespmem:$0x17020] =	vst v63  }
0x22: {  	[spmem:s21], [sflag:s17] =	dma.local [hbm:s22], $0x500  }
0x23: {  	_ =	swait.ge [sflag:s19], $0x500  }
0x24: {  	[sflag:s19] =	ssyncset.done $0x0  }
0x25: {  	s22 =	simm.s32 $0x1;
	[sflag:s19] =	ssyncadd.s32 $0xFFFFFB00  }
0x26: {  	_ =	swait.ge [sflag:s22], $0x7D0  }
0x27: {  	[sflag:s22] =	ssyncset.done $0x0  }
0x28: {  	[sflag:s22] =	ssyncadd.s32 $0xFFFFF830  }
0x29: {  	_ =	swait.ge [sflag:s22], $0x7D0  }
0x2a: {  	[sflag:s22] =	ssyncset.done $0x0  }
0x2b: {  	s23 =	sadd.s32 $0x15200, s24;
	[sflag:s22] =	ssyncadd.s32 $0xFFFFF830  }
0x2c: {  	s6 =	smov.u32 s24;
	s24 =	simm.s32 $0x4E20;
	[bflag:$0x0] =	sbarrier.arrive $0xFFFF  }
0x2d: {  	[tilespmem:s24], [sflag:$0x2] =	stream.indirect.gather [hbm4b:s23+s5], $0x10, s3, s5, $0xb8;
	[tilespmem:$0x17020] =	vst v63  }
0x2e: {  	_ =	swait.ge [sflag:s22], $0x7D0  }
0x2f: {  	[sflag:s22] =	ssyncset.done $0x0  }
0x30: {  	[sflag:s22] =	ssyncadd.s32 $0xFFFFF830  }
0x31: {  	_ =	swait.ge [sflag:s22], $0x7D0  }
0x32: {  	s25 =	simm.s32 $0xCB20;
	[sflag:s22] =	ssyncset.done $0x0  }
0x33: {  	s8 =	smov.u32 s26;
	s26 =	simm.s32 $0x2;
	[sflag:s22] =	ssyncadd.s32 $0xFFFFF830  }
0x34: {  	[tilespmem:s25], [sflag:$0x3] =	stream.indirect.gather [hbm4b:s23+s5], $0x10, s5, s5, $0xb8;
	[tilespmem:$0x17020] =	vst v63  }
0x35: {  	_ =	swait.ge [sflag:s26], $0x7D00  }
0x36: {  	[sflag:s26] =	ssyncset.done $0x0  }
0x37: {  	[sflag:s26] =	ssyncadd.s32 $0xFFFF8300  }
0x38: {  	[spmem:s2] =	stream.indirect.scatter.add.f32 [tilespmem:s24], [sflag:$0x4], $0x10, s4, s5, $0xb8;
	[tilespmem:$0x17020] =	vst v63  }
0x39: {  	_ =	swait.ge [sflag:s22], $0x7D0  }
0x3a: {  	[sflag:s22] =	ssyncset.done $0x0  }
0x3b: {  	[sflag:s22] =	ssyncadd.s32 $0xFFFFF830  }
0x3c: {  	_ =	swait.ge [sflag:s22], $0x7D0  }
0x3d: {  	[sflag:s22] =	ssyncset.done $0x0  }
0x3e: {  	s28 =	simm.s32 $0x4;
	[sflag:s22] =	ssyncadd.s32 $0xFFFFF830  }
0x3f: {  	_ =	swait.ge [sflag:s28], $0x7D00  }
0x40: {  	[sflag:s28] =	ssyncset.done $0x0  }
0x41: {  	[sflag:s28] =	ssyncadd.s32 $0xFFFF8300  }
0x42: {  	[tilespmem:s24], [sflag:$0x2] =	stream.indirect.gather [hbm4b:s23+s5], $0x10, s29, s5, $0xb8;
	[tilespmem:$0x17020] =	vst v63  }
0x43: {  	s29 =	simm.s32 $0x3  }
0x44: {  	_ =	swait.ge [sflag:s29], $0x7D00  }
0x45: {  	[sflag:s29] =	ssyncset.done $0x0  }
0x46: {  	[sflag:s29] =	ssyncadd.s32 $0xFFFF8300  }
0x47: {  	[spmem:s2] =	stream.indirect.scatter.add.f32 [tilespmem:s25], [sflag:$0x5], $0x10, s9, s5, $0xb8;
	[tilespmem:$0x17020] =	vst v63  }
0x48: {  	_ =	swait.ge [sflag:s22], $0x7D0  }
0x49: {  	[sflag:s22] =	ssyncset.done $0x0  }
0x4a: {  	[sflag:s22] =	ssyncadd.s32 $0xFFFFF830  }
0x4b: {  	_ =	swait.ge [sflag:s22], $0x7D0  }
0x4c: {  	[sflag:s22] =	ssyncset.done $0x0  }
0x4d: {  	s30 =	simm.s32 $0x5;
	[sflag:s22] =	ssyncadd.s32 $0xFFFFF830  }
0x4e: {  	_ =	swait.ge [sflag:s30], $0x7D00  }
0x4f: {  	[sflag:s30] =	ssyncset.done $0x0  }
0x50: {  	[sflag:s30] =	ssyncadd.s32 $0xFFFF8300  }
0x51: {  	[tilespmem:s25], [sflag:$0x3] =	stream.indirect.gather [hbm4b:s23+s5], $0x10, s15, s5, $0xb8;
	[tilespmem:$0x17020] =	vst v63  }
0x52: {  	_ =	swait.ge [sflag:s26], $0x7D00  }
0x53: {  	[sflag:s26] =	ssyncset.done $0x0  }
0x54: {  	[sflag:s26] =	ssyncadd.s32 $0xFFFF8300  }
0x55: {  	[spmem:s2] =	stream.indirect.scatter.add.f32 [tilespmem:s24], [sflag:$0x4], $0x10, s12, s5, $0xb8;
	[tilespmem:$0x17020] =	vst v63  }
0x56: {  	_ =	swait.ge [sflag:s22], $0x7D0  }
0x57: {  	[sflag:s22] =	ssyncset.done $0x0  }
0x58: {  	[sflag:s22] =	ssyncadd.s32 $0xFFFFF830  }
0x59: {  	_ =	swait.ge [sflag:s22], $0x7D0  }
0x5a: {  	[sflag:s22] =	ssyncset.done $0x0  }
0x5b: {  	[sflag:s22] =	ssyncadd.s32 $0xFFFFF830  }
0x5c: {  	_ =	swait.ge [sflag:s28], $0x7D00  }
0x5d: {  	[sflag:s28] =	ssyncset.done $0x0  }
0x5e: {  	[sflag:s28] =	ssyncadd.s32 $0xFFFF8300  }
0x5f: {  	[tilespmem:s24], [sflag:$0x2] =	stream.indirect.gather [hbm4b:s23+s5], $0x10, s18, s5, $0xb8;
	[tilespmem:$0x17020] =	vst v63  }
0x60: {  	_ =	swait.ge [sflag:s29], $0x7D00  }
0x61: {  	[sflag:s29] =	ssyncset.done $0x0  }
0x62: {  	[sflag:s29] =	ssyncadd.s32 $0xFFFF8300  }
0x63: {  	[spmem:s2] =	stream.indirect.scatter.add.f32 [tilespmem:s25], [sflag:$0x5], $0x10, s16, s5, $0xb8;
	[tilespmem:$0x17020] =	vst v63  }
0x64: {  	_ =	swait.ge [sflag:s26], $0x7D00  }
0x65: {  	[sflag:s26] =	ssyncset.done $0x0  }
0x66: {  	s4 =	ssub.s32 $0x2, s31;
	s9 =	smul.u32 $0x28000, s31;
	[sflag:s26] =	ssyncadd.s32 $0xFFFF8300  }
0x67: {  	[spmem:s2] =	stream.indirect.scatter.add.f32 [tilespmem:s24], [sflag:$0x4], $0x10, s20, s5, $0xb8;
	[tilespmem:$0x17020] =	vst v63  }
0x68: {  	s31 =	sshrl.u32 s4, $0x1;
	_ =	swait.ge [sflag:s30], $0x7D00  }
0x69: {  	s0 =	sadd.s32 s1, s9;
	s1 =	ssub.s32 s4, s31;
	[sflag:s30] =	ssyncset.done $0x0  }
0x6a: {  	s9 =	smax.u32 s1, $0x1;
	[sflag:s30] =	ssyncadd.s32 $0xFFFF8300  }
0x6b: {  	p0 =	sne.s32 s9, $0x1;
	_ =	swait.ge [sflag:s28], $0x7D00  }
.Ltmp0:
0x6c: {  	s0 =	sshrl.u32 s0, $0x3;
	[sflag:s28] =	ssyncset.done $0x0;
	(pc) =	sbr.rel @!p0 .LBB2_3-.Ltmp0, $4  }
0x6d: {  	s0 =	sadd.s32 s0, s6;
	[sflag:s28] =	ssyncadd.s32 $0xFFFF8300  }
0x6e: {  	s31 =	sadd.s32 $0x1A200, s0;
	[bflag:$0x0] =	sbarrier.arrive $0xFFFF  }
0x6f: {  	[hbm:s31], [sflag:s17] =	dma.local [spmem:s21], $0x500  }
0x70: {  	s1 =	sadd.s32 $0xFFFFFFFF, s9;
	_ =	swait.ge [sflag:s19], $0x500  }
0x71: {  	s9 =	smov.u32 s7;
	s6 =	simm.s32 $0x2710;
	s7 =	simm.s32 $0x2EE0  }
.LBB2_2:
0x72: {  	[sflag:s19] =	ssyncset.done $0x0  }
0x73: {  	s0 =	rddreg [dreg:$0x5];
	[sflag:s19] =	ssyncadd.s32 $0xFFFFFB00  }
0x74: {  	[tilespmem:s3], [sflag:$0x1] =	stream.linear.gather [hbm4b:s0+s3], $0x7D0, $0x38;
	[tilespmem:$0x17020] =	vst v63  }
0x75: {  	s4 =	rddreg [dreg:$0x6]  }
0x76: {  	[tilespmem:s6], [sflag:$0x1] =	stream.linear.gather [hbm4b:s4+s3], $0x7D0, $0x38;
	[tilespmem:$0x17020] =	vst v63  }
0x77: {  	s0 =	rddreg [dreg:$0x7]  }
0x78: {  	[tilespmem:s5], [sflag:$0x1] =	stream.linear.gather [hbm4b:s0+s3], $0x7D0, $0x38;
	[tilespmem:$0x17020] =	vst v63  }
0x79: {  	s4 =	rddreg [dreg:$0x8]  }
0x7a: {  	[tilespmem:s7], [sflag:$0x1] =	stream.linear.gather [hbm4b:s4+s3], $0x7D0, $0x38;
	[tilespmem:$0x17020] =	vst v63  }
0x7b: {  	s4 =	simm.s32 $0xFA0  }
0x7c: {  	[tilespmem:s4], [sflag:$0x1] =	stream.linear.gather [hbm4b:s8+s3], $0x7D0, $0x38;
	[tilespmem:$0x17020] =	vst v63  }
0x7d: {  	_ = 	snop  }
0x7e: {  	[tilespmem:s12], [sflag:$0x1] =	stream.linear.gather [hbm4b:s9+s3], $0x7D0, $0x38;
	[tilespmem:$0x17020] =	vst v63  }
0x7f: {  	_ = 	snop  }
0x80: {  	[tilespmem:s15], [sflag:$0x1] =	stream.linear.gather [hbm4b:s10+s3], $0x7D0, $0x38;
	[tilespmem:$0x17020] =	vst v63  }
0x81: {  	_ = 	snop  }
0x82: {  	[tilespmem:s16], [sflag:$0x1] =	stream.linear.gather [hbm4b:s11+s3], $0x7D0, $0x38;
	[tilespmem:$0x17020] =	vst v63  }
0x83: {  	_ = 	snop  }
0x84: {  	[tilespmem:s18], [sflag:$0x1] =	stream.linear.gather [hbm4b:s13+s3], $0x7D0, $0x38;
	[tilespmem:$0x17020] =	vst v63  }
0x85: {  	s0 =	rddreg [dreg:$0x4]  }
0x86: {  	[tilespmem:s20], [sflag:$0x1] =	stream.linear.gather [hbm4b:s14+s3], $0x7D0, $0x38;
	[tilespmem:$0x17020] =	vst v63  }
0x87: {  	[spmem:s21], [sflag:s17] =	dma.local [hbm:s0], $0x500  }
0x88: {  	_ =	swait.ge [sflag:s19], $0x500  }
0x89: {  	[sflag:s19] =	ssyncset.done $0x0  }
0x8a: {  	[sflag:s19] =	ssyncadd.s32 $0xFFFFFB00  }
0x8b: {  	_ =	swait.ge [sflag:s22], $0x7D0  }
0x8c: {  	[sflag:s22] =	ssyncset.done $0x0  }
0x8d: {  	[sflag:s22] =	ssyncadd.s32 $0xFFFFF830  }
0x8e: {  	_ =	swait.ge [sflag:s22], $0x7D0  }
0x8f: {  	[sflag:s22] =	ssyncset.done $0x0  }
0x90: {  	[sflag:s22] =	ssyncadd.s32 $0xFFFFF830  }
0x91: {  	[bflag:$0x0] =	sbarrier.arrive $0xFFFF  }
0x92: {  	[tilespmem:s24], [sflag:$0x2] =	stream.indirect.gather [hbm4b:s23+s5], $0x10, s3, s5, $0xb8;
	[tilespmem:$0x17020] =	vst v63  }
0x93: {  	_ =	swait.ge [sflag:s22], $0x7D0  }
0x94: {  	[sflag:s22] =	ssyncset.done $0x0  }
0x95: {  	[sflag:s22] =	ssyncadd.s32 $0xFFFFF830  }
0x96: {  	_ =	swait.ge [sflag:s22], $0x7D0  }
0x97: {  	[sflag:s22] =	ssyncset.done $0x0  }
0x98: {  	[sflag:s22] =	ssyncadd.s32 $0xFFFFF830  }
0x99: {  	[tilespmem:s25], [sflag:$0x3] =	stream.indirect.gather [hbm4b:s23+s5], $0x10, s5, s5, $0xb8;
	[tilespmem:$0x17020] =	vst v63  }
0x9a: {  	_ =	swait.ge [sflag:s26], $0x7D00  }
0x9b: {  	[sflag:s26] =	ssyncset.done $0x0  }
0x9c: {  	[sflag:s26] =	ssyncadd.s32 $0xFFFF8300  }
0x9d: {  	[spmem:s2] =	stream.indirect.scatter.add.f32 [tilespmem:s24], [sflag:$0x4], $0x10, s6, s5, $0xb8;
	[tilespmem:$0x17020] =	vst v63  }
0x9e: {  	_ =	swait.ge [sflag:s22], $0x7D0  }
0x9f: {  	[sflag:s22] =	ssyncset.done $0x0  }
0xa0: {  	[sflag:s22] =	ssyncadd.s32 $0xFFFFF830  }
0xa1: {  	_ =	swait.ge [sflag:s22], $0x7D0  }
0xa2: {  	[sflag:s22] =	ssyncset.done $0x0  }
0xa3: {  	[sflag:s22] =	ssyncadd.s32 $0xFFFFF830  }
0xa4: {  	_ =	swait.ge [sflag:s28], $0x7D00  }
0xa5: {  	[sflag:s28] =	ssyncset.done $0x0  }
0xa6: {  	[sflag:s28] =	ssyncadd.s32 $0xFFFF8300  }
0xa7: {  	[tilespmem:s24], [sflag:$0x2] =	stream.indirect.gather [hbm4b:s23+s5], $0x10, s4, s5, $0xb8;
	[tilespmem:$0x17020] =	vst v63  }
0xa8: {  	_ =	swait.ge [sflag:s29], $0x7D00  }
0xa9: {  	[sflag:s29] =	ssyncset.done $0x0  }
0xaa: {  	[sflag:s29] =	ssyncadd.s32 $0xFFFF8300  }
0xab: {  	[spmem:s2] =	stream.indirect.scatter.add.f32 [tilespmem:s25], [sflag:$0x5], $0x10, s7, s5, $0xb8;
	[tilespmem:$0x17020] =	vst v63  }
0xac: {  	_ =	swait.ge [sflag:s22], $0x7D0  }
0xad: {  	[sflag:s22] =	ssyncset.done $0x0  }
0xae: {  	[sflag:s22] =	ssyncadd.s32 $0xFFFFF830  }
0xaf: {  	_ =	swait.ge [sflag:s22], $0x7D0  }
0xb0: {  	[sflag:s22] =	ssyncset.done $0x0  }
0xb1: {  	[sflag:s22] =	ssyncadd.s32 $0xFFFFF830  }
0xb2: {  	_ =	swait.ge [sflag:s30], $0x7D00  }
0xb3: {  	[sflag:s30] =	ssyncset.done $0x0  }
0xb4: {  	[sflag:s30] =	ssyncadd.s32 $0xFFFF8300  }
0xb5: {  	[tilespmem:s25], [sflag:$0x3] =	stream.indirect.gather [hbm4b:s23+s5], $0x10, s15, s5, $0xb8;
	[tilespmem:$0x17020] =	vst v63  }
0xb6: {  	_ =	swait.ge [sflag:s26], $0x7D00  }
0xb7: {  	[sflag:s26] =	ssyncset.done $0x0  }
0xb8: {  	[sflag:s26] =	ssyncadd.s32 $0xFFFF8300  }
0xb9: {  	[spmem:s2] =	stream.indirect.scatter.add.f32 [tilespmem:s24], [sflag:$0x4], $0x10, s12, s5, $0xb8;
	[tilespmem:$0x17020] =	vst v63  }
0xba: {  	_ =	swait.ge [sflag:s22], $0x7D0  }
0xbb: {  	[sflag:s22] =	ssyncset.done $0x0  }
0xbc: {  	[sflag:s22] =	ssyncadd.s32 $0xFFFFF830  }
0xbd: {  	_ =	swait.ge [sflag:s22], $0x7D0  }
0xbe: {  	[sflag:s22] =	ssyncset.done $0x0  }
0xbf: {  	[sflag:s22] =	ssyncadd.s32 $0xFFFFF830  }
0xc0: {  	_ =	swait.ge [sflag:s28], $0x7D00  }
0xc1: {  	[sflag:s28] =	ssyncset.done $0x0  }
0xc2: {  	[sflag:s28] =	ssyncadd.s32 $0xFFFF8300  }
0xc3: {  	[tilespmem:s24], [sflag:$0x2] =	stream.indirect.gather [hbm4b:s23+s5], $0x10, s18, s5, $0xb8;
	[tilespmem:$0x17020] =	vst v63  }
0xc4: {  	_ =	swait.ge [sflag:s29], $0x7D00  }
0xc5: {  	[sflag:s29] =	ssyncset.done $0x0  }
0xc6: {  	[sflag:s29] =	ssyncadd.s32 $0xFFFF8300  }
0xc7: {  	[spmem:s2] =	stream.indirect.scatter.add.f32 [tilespmem:s25], [sflag:$0x5], $0x10, s16, s5, $0xb8;
	[tilespmem:$0x17020] =	vst v63  }
0xc8: {  	_ =	swait.ge [sflag:s26], $0x7D00  }
0xc9: {  	[sflag:s26] =	ssyncset.done $0x0  }
0xca: {  	[sflag:s26] =	ssyncadd.s32 $0xFFFF8300  }
0xcb: {  	[spmem:s2] =	stream.indirect.scatter.add.f32 [tilespmem:s24], [sflag:$0x4], $0x10, s20, s5, $0xb8;
	[tilespmem:$0x17020] =	vst v63  }
0xcc: {  	_ =	swait.ge [sflag:s30], $0x7D00  }
0xcd: {  	[sflag:s30] =	ssyncset.done $0x0  }
0xce: {  	[sflag:s30] =	ssyncadd.s32 $0xFFFF8300  }
0xcf: {  	p0 =	sne.s32 s1, $0x1;
	_ =	swait.ge [sflag:s28], $0x7D00  }
.Ltmp1:
0xd0: {  	[sflag:s28] =	ssyncset.done $0x0;
	(pc) =	sbr.rel @p0 .LBB2_2-.Ltmp1, $4  }
0xd1: {  	[sflag:s28] =	ssyncadd.s32 $0xFFFF8300  }
0xd2: {  	[bflag:$0x0] =	sbarrier.arrive $0xFFFF  }
0xd3: {  	[hbm:s31], [sflag:s17] =	dma.local [spmem:s21], $0x500  }
0xd4: {  	s1 =	sadd.s32 $0xFFFFFFFF, s1;
	_ =	swait.ge [sflag:s19], $0x500  }
.LBB2_3:
0xd5: {  	[sflag:s19] =	ssyncset.done $0x0  }
0xd6: {  	[sflag:s19] =	ssyncadd.s32 $0xFFFFFB00  }
0xd7: {  	_ =	sfence.sel $0x180000  }
0xd8: {  	[bflag:$0x0] =	sbarrier.arrive $0xFFFF  }
0xd9: {  	_ =	strace $0x9000004A  }
0xda: {  	s0 =	stileid.u32;
	[bflag:$0x2] =	sbarrier.arrive $0xFFFF  }
0xdb: {  	p0 =	sne.s32 s0, $0x0;
	s0 =	rddreg [dreg:$0x3]  }
0xdc: {  	s0 =	sadd.s32 @!p0 $0x100000, s0  }
0xdd: {  	[sflag:s0] =	ssyncadd.tile.s32 @!p0 $0x1;
	_ =	shalt  }
.Lfunc_end2:
_tile_overlayer_lowered:
.L_overlay_start_2:
0xde: {  	(tag) =	ssettag $0x2  }
0xdf: {  	s0 =	rddreg [dreg:$0x0];
	s2 =	stileid.u32  }
0xe0: {  	s1 =	rddreg [dreg:$0x1];
	p0 =	sne.s32 s2, $0x0  }
0xe1: {  	s3 =	rddreg [dreg:$0x2];
	[bflag:$0x3] =	sbarrier.arrive $0xFFFF;
	s2 =	simm.s32 @!p0 $0x1C06  }
0xe2: {  	[timem:s3], [sflag:s2] =	dma.local @!p0 [hbm:s0], s1  }
0xe3: {  	s0 =	simm.s32 @!p0 $0x6  }
0xe4: {  	_ =	swait.ge @!p0 [sflag:s0], s1  }
0xe5: {  	s1 =	ssub.s32 @!p0 $0x0, s1;
	[sflag:s0] =	ssyncset.done @!p0 $0x0  }
0xe6: {  	[sflag:s0] =	ssyncadd.s32 @!p0 s1  }
0xe7: {  	[bflag:$0x3] =	sbarrier.arrive $0xFFFF  }
0xe8: {  	_ =	shalt  }

// kernel: kernel.7.cloned.1.call-start
scs
__scs_entry_jumppad:
0x0: {  	(pc) =	sbr.rel $0x88, $3  }
0x1: {  	(tag) =	ssettag $0x0;
	lr =	simm.s32 $0x1  }
0x2: {  	[smem:$0x3F9D] =	sst lr;
	_ =	strace $0xD0000000  }
0x3: {  	_ = 	snop  }
0x4: {  	_ = 	snop  }
0x5: {  	_ = 	snop  }
0x6: {  	_ = 	snop  }
0x7: {  	_ = 	snop  }
__scs_overlays_trampoline_lowered:
0x8: {  	[smem:$0x3FAC] =	sst s0  }
0x9: {  	[smem:$0x3FAD] =	sst s1  }
0xa: {  	[smem:$0x3FAE] =	sst s2  }
0xb: {  	[smem:$0x3FAF] =	sst s3  }
0xc: {  	[smem:$0x3FB0] =	sst s4  }
0xd: {  	[smem:$0x3FB1] =	sst s5  }
0xe: {  	[smem:$0x3FB2] =	sst s6  }
0xf: {  	[smem:$0x3FB3] =	sst s7  }
0x10: {  	[smem:$0x3FB4] =	sst s8  }
0x11: {  	[smem:$0x3FB5] =	sst s9;
	s0 =	simm.s32 @!p0 $0x0  }
0x12: {  	s1 =	sld [smem:$0x3F9B];
	s0 =	simm.s32 @p0 $0x1  }
0x13: {  	[smem:$0x3FB6] =	sst s0;
	s0 =	simm.s32 @!p1 $0x0  }
0x14: {  	s2 =	sld [smem:$0x3F9A];
	s0 =	simm.s32 @p1 $0x1  }
0x15: {  	[smem:$0x3FB7] =	sst s0;
	s0 =	simm.s32 @!p2 $0x0  }
0x16: {  	s3 =	sld [smem:$0x3FDB];
	s0 =	simm.s32 @p2 $0x1  }
0x17: {  	s4 =	simm.s32 $0x1BF5;
	[smem:$0x3FB9] =	sst s0  }
0x18: {  	s0 =	sld [smem:$0x3F9C];
	_ =	swait.ge [sflag:s4], $0x0  }
0x19: {  	s7 =	sld [smem:$0x3F9D]  }
0x1a: {  	s8 =	sadd.s32 $0xFFFFE003, lr  }
0x1b: {  	s9 =	sadd.s32 $0xFFFFFEF7, lr;
	s5 =	simm.s32 $0xFFFFFFFF;
	p2 =	slt.u32 s8, $0xFFFFF086  }
0x1c: {  	p1 =	slt.u32 s9, $0xF7A;
	s5 =	simm.s32 @!p2 $0x0  }
0x1d: {  	s5 =	simm.s32 @p1 $0x1;
	p0 =	seq.s32 s7, s2  }
0x1e: {  	s7 =	smul.u32 @!p0 $0xF7A, s2;
	p2 =	seq.s32 @!p0 s5, $0x0  }
0x1f: {  	s9 =	smul.u32 $0xF7A, s1;
	s8 =	simm.s32 @!p0 $0x1BF5;
	p2 =	por !p2, p0  }
0x20: {  	[sflag:s8] =	ssyncset.s32 @!p0 $0xFFFFF086;
	s6 =	sadd.s32 @!p0 s3, s7;
	s7 =	simm.s32 @!p0 $0x108  }
0x21: {  	s3 =	sadd.s32 s3, s9;
	s6 =	sadd.s32 @!p0 $0x88, s6;
	s7 =	simm.s32 @p2 $0x1082  }
0x22: {  	[simem:s7], [sflag:s8] =	dma.local @!p0 [hbm:s6], $0xF7A  }
0x23: {  	s9 =	sor.u32 $0xD0000000, s2;
	s6 =	simm.s32 $0x108;
	_ =	swait.ge @!p0 [sflag:s8], $0x0  }
0x24: {  	s3 =	sadd.s32 $0x88, s3;
	s6 =	simm.s32 @!p1 $0x1082;
	[sflag:s4] =	ssyncset.s32 $0xFFFFF086  }
0x25: {  	[simem:s6], [sflag:s4] =	dma.local [hbm:s3], $0xF7A  }
0x26: {  	[smem:$0x3F9D] =	sst s1;
	(tag) =	ssettag s2;
	_ =	strace s9  }
0x27: {  	s1 =	sld [smem:$0x3FAD]  }
0x28: {  	s2 =	sld [smem:$0x3FAE]  }
0x29: {  	s4 =	sld [smem:$0x3FB0]  }
0x2a: {  	p0 =	seq.s32 s5, $0x0;
	s5 =	sld [smem:$0x3FB1]  }
0x2b: {  	s6 =	sld [smem:$0x3FB2]  }
0x2c: {  	s7 =	sld [smem:$0x3FB3]  }
0x2d: {  	s3 =	simm.s32 $0x108;
	s8 =	sld [smem:$0x3FB4]  }
0x2e: {  	s3 =	simm.s32 @!p0 $0x1082;
	s9 =	sld [smem:$0x3FB5]  }
0x2f: {  	lr =	sadd.s32 s0, s3;
	s0 =	sld [smem:$0x3FAC]  }
0x30: {  	s3 =	sld [smem:$0x3FAF]  }
0x31: {  	[smem:$0x3FB8] =	sst s10  }
0x32: {  	s10 =	sld [smem:$0x3FB6];
	_ =	sdelay $0x3  }
0x33: {  	p0 =	seq.s32 s10, $0x1;
	s10 =	sld [smem:$0x3FB8];
	_ =	sdelay $0x3  }
0x34: {  	[smem:$0x3FB8] =	sst s10  }
0x35: {  	s10 =	sld [smem:$0x3FB7];
	_ =	sdelay $0x3  }
0x36: {  	p1 =	seq.s32 s10, $0x1;
	s10 =	sld [smem:$0x3FB8];
	_ =	sdelay $0x3  }
0x37: {  	[smem:$0x3FB8] =	sst s10  }
0x38: {  	s10 =	sld [smem:$0x3FB9]  }
0x39: {  	_ = 	snop;
	(pc) =	sbr.ind lr, $3  }
0x3a: {  	_ = 	snop  }
0x3b: {  	_ = 	snop  }
0x3c: {  	p2 =	seq.s32 s10, $0x1;
	s10 =	sld [smem:$0x3FB8]  }
0x3d: {  	_ =	shalt  }
0x3e: {  	_ =	shalt  }
0x3f: {  	_ =	shalt  }
0x40: {  	_ =	shalt  }
0x41: {  	_ =	shalt  }
0x42: {  	_ =	shalt  }
0x43: {  	_ =	shalt  }
0x44: {  	_ =	shalt  }
0x45: {  	_ =	shalt  }
0x46: {  	_ =	shalt  }
0x47: {  	_ =	shalt  }
0x48: {  	_ =	shalt  }
0x49: {  	_ =	shalt  }
0x4a: {  	_ =	shalt  }
0x4b: {  	_ =	shalt  }
0x4c: {  	_ =	shalt  }
0x4d: {  	_ =	shalt  }
0x4e: {  	_ =	shalt  }
0x4f: {  	_ =	shalt  }
0x50: {  	_ =	shalt  }
0x51: {  	_ =	shalt  }
0x52: {  	_ =	shalt  }
0x53: {  	_ =	shalt  }
0x54: {  	_ =	shalt  }
0x55: {  	_ =	shalt  }
0x56: {  	_ =	shalt  }
0x57: {  	_ =	shalt  }
0x58: {  	_ =	shalt  }
0x59: {  	_ =	shalt  }
0x5a: {  	_ =	shalt  }
0x5b: {  	_ =	shalt  }
0x5c: {  	_ =	shalt  }
0x5d: {  	_ =	shalt  }
0x5e: {  	_ =	shalt  }
0x5f: {  	_ =	shalt  }
0x60: {  	_ =	shalt  }
0x61: {  	_ =	shalt  }
0x62: {  	_ =	shalt  }
0x63: {  	_ =	shalt  }
0x64: {  	_ =	shalt  }
0x65: {  	_ =	shalt  }
0x66: {  	_ =	shalt  }
0x67: {  	_ =	shalt  }
0x68: {  	_ =	shalt  }
0x69: {  	_ =	shalt  }
0x6a: {  	_ =	shalt  }
0x6b: {  	_ =	shalt  }
0x6c: {  	_ =	shalt  }
0x6d: {  	_ =	shalt  }
0x6e: {  	_ =	shalt  }
0x6f: {  	_ =	shalt  }
0x70: {  	_ =	shalt  }
0x71: {  	_ =	shalt  }
0x72: {  	_ =	shalt  }
0x73: {  	_ =	shalt  }
0x74: {  	_ =	shalt  }
0x75: {  	_ =	shalt  }
0x76: {  	_ =	shalt  }
0x77: {  	_ =	shalt  }
0x78: {  	_ =	shalt  }
0x79: {  	_ =	shalt  }
0x7a: {  	_ =	shalt  }
0x7b: {  	_ =	shalt  }
0x7c: {  	_ =	shalt  }
0x7d: {  	_ =	shalt  }
0x7e: {  	_ =	shalt  }
0x7f: {  	_ =	shalt  }
0x80: {  	_ =	shalt  }
0x81: {  	_ =	shalt  }
0x82: {  	_ =	shalt  }
0x83: {  	_ =	shalt  }
0x84: {  	_ =	shalt  }
0x85: {  	_ =	shalt  }
0x86: {  	_ =	shalt  }
0x87: {  	_ =	shalt  }
.Lfunc_end0:
.L_simem_size_0:
called_computation_lowered:
.L_overlay_start_0:
0x88: {  	s2 =	sld [smem:$0x3FD9]  }
0x89: {  	s3 =	sld [smem:$0x3FFE];
	_ =	sdelay $0x1  }
0x8a: {  	s1 =	srdreg.scid  }
0x8b: {  	s0 =	sand.u32 $0x1, s1  }
0x8c: {  	s17 =	sshll.u32 s0, $0xA;
	s2 =	sadd.s32 s3, s2  }
0x8d: {  	s2 =	sadd.s32 s2, s17  }
0x8e: {  	[smem:$0x3FC4] =	sst s2  }
0x8f: {  	_ = 	snop  }
0x90: {  	s2 =	sld [smem:$0x3FD0];
	(tm) =	ssettm $0x1  }
0x91: {  	s18 =	sld [smem:$0x3FFB];
	_ =	sdelay $0x3  }
0x92: {  	_ =	strace s18  }
0x93: {  	s3 =	sld [smem:$0x3FFC];
	_ =	sdelay $0x3  }
0x94: {  	_ =	strace s3  }
0x95: {  	s3 =	sld [smem:$0x3FFD];
	_ =	sdelay $0x3  }
0x96: {  	_ =	strace s3  }
0x97: {  	_ =	strace $0x8FFFFFFF  }
0x98: {  	s19 =	sld [smem:$0x3FDB];
	_ =	sdelay $0x1  }
0x99: {  	s4 =	simm.s32 $_scs_section_size  }
0x9a: {  	s5 =	simm.s32 $_size__tile_overlayer_lowered;
	s6 =	simm.s32 $_tile_overlayer_lowered  }
0x9b: {  	s22 =	simm.s32 $0x1BFF;
	s21 =	sshll.u32 s6, $0x1;
	s3 =	sadd.s32 s4, s19  }
0x9c: {  	s7 =	simm.s32 $0x0;
	s20 =	sshll.u32 s5, $0x1;
	s5 =	sadd.s32 s21, s3  }
0x9d: {  	[timem:s7], [sflag:s22] =	dma.local [hbm:s5], s20  }
0x9e: {  	_ =	swait.ge [sflag:s22], s20  }
0x9f: {  	s4 =	ssub.s32 $0x0, s20;
	[sflag:s22] =	ssyncset.done $0x0  }
0xa0: {  	[sflag:s22] =	ssyncadd.s32 s4;
	_ =	sdelay $0x1  }
0xa1: {  	s23 =	simm.s32 $0x1B8B  }
0xa2: {  	_ =	swait.ge [sflag:s23], $0x1  }
0xa3: {  	[sflag:s23] =	ssyncset.done $0x0  }
0xa4: {  	s25 =	simm.s32 $0x1B8E;
	s24 =	sld [smem:$0x3FFE];
	[sflag:s23] =	ssyncadd.s32 $0xFFFFFFFF  }
0xa5: {  	s26 =	simm.s32 $execute0_lowered;
	[smem:$0x3FD2] =	sst s25  }
0xa6: {  	s5 =	sshll.u32 s26, $0x1;
	_ =	strace $0x80000046;
	[dreg:$0x1] =	wrdreg $0xFFFFFFFF  }
0xa7: {  	s28 =	simm.s32 $_size_execute0_lowered;
	s3 =	sadd.s32 s3, s5;
	[dreg:$0x0] =	wrdreg $0x0  }
0xa8: {  	s5 =	sshll.u32 s28, $0x1;
	[dreg:$0x2] =	wrdreg s3  }
0xa9: {  	[dreg:$0x3] =	wrdreg s5  }
0xaa: {  	[dreg:$0x4] =	wrdreg $0xC0  }
0xab: {  	_ =	task [dreg:s7], $0x5FFFF  }
0xac: {  	[dreg:$0x1] =	wrdreg $0xFFFFFFFF  }
0xad: {  	[dreg:$0x0] =	wrdreg $0x60  }
0xae: {  	[dreg:$0x2] =	wrdreg s24  }
0xaf: {  	[dreg:$0x3] =	wrdreg s2  }
0xb0: {  	[dreg:$0x4] =	wrdreg $0x148200  }
0xb1: {  	[dreg:$0x5] =	wrdreg $0x9  }
0xb2: {  	_ =	task.clear_ibuf [dreg:s7], $0x6FFFF;
	_ =	strace $0x90000046  }
0xb3: {  	s29 =	simm.s32 $0x9;
	_ =	strace $0x80000048  }
0xb4: {  	_ =	swait.ge [sflag:s29], $0x1  }
0xb5: {  	[sflag:s29] =	ssyncadd.s32 $0xFFFFFFFF  }
0xb6: {  	_ =	strace $0x90000048  }
0xb7: {  	_ =	sfence  }
0xb8: {  	s30 =	sld [smem:$0x0];
	_ =	sdelay $0x2  }
0xb9: {  	s31 =	sshll.u32 s1, $0xD;
	s1 =	sshrl.u32 s1, $0x2  }
0xba: {  	s3 =	sand.u32 $0x4000, s31;
	s1 =	sadd.s32 s1, s30  }
0xbb: {  	s0 =	sor.u32 s3, s0;
	s1 =	sshll.u32 s1, $0x11  }
0xbc: {  	s0 =	sor.u32 s1, s0  }
0xbd: {  	s0 =	sadd.s32 $0x8F2B, s0  }
0xbe: {  	[sflag:s0] =	ssyncadd.remote.s32 $0x1  }
0xbf: {  	_ =	sfence.sel $0xFFFF  }
0xc0: {  	[dreg:$0x0] =	wrdreg $0xFFFFFFFF;
	(pc) =	sbr.abs _section_cstart, $3  }
0xc1: {  	[dreg:$0x1] =	wrdreg $0xFFFFFFFF  }
0xc2: {  	_ =	task.clear_ibuf [dreg:s7], $0x2FFFF;
	_ =	strace $0x9FFFFFFF  }
0xc3: {  	(tm) =	ssettm $0x7FFFFFFF  }
tec
execute0_lowered:
.L_overlay_start_1:
0x0: {  	(tag) =	ssettag $0x1  }
0x1: {  	s0 =	srdreg.scid  }
0x2: {  	s31 =	sand.u32 $0x1, s0  }
0x3: {  	s16 =	stileid.u32;
	s0 =	sshll.u32 s31, $0x4  }
0x4: {  	s0 =	sor.u32 s16, s0  }
0x5: {  	s24 =	rddreg [dreg:$0x0];
	s0 =	smul.u32 $0x2710, s0  }
0x6: {  	s2 =	rddreg [dreg:$0x1]  }
0x7: {  	[dreg:$0x4] =	wrdreg s2;
	s0 =	sshrl.u32 s0, $0x3  }
0x8: {  	s3 =	simm.s32 $0x0;
	s2 =	rddreg [dreg:$0x2];
	s14 =	sadd.s32 s0, s24  }
0x9: {  	[smem:$0x7FF] =	sst s3;
	s0 =	sadd.s32 $0x1800, s14  }
0xa: {  	_ =	strace $0x80000047;
	s5 =	sadd.s32 $0xB440, s14;
	[dreg:$0x5] =	wrdreg s0  }
0xb: {  	s6 =	sadd.s32 $0x18FA, s14;
	[dreg:$0x6] =	wrdreg s5  }
0xc: {  	s7 =	sadd.s32 $0xB53A, s14;
	[dreg:$0x7] =	wrdreg s6  }
0xd: {  	[dreg:$0x8] =	wrdreg s7  }
0xe: {  	s4 =	rddreg [dreg:$0x5]  }
0xf: {  	[tilespmem:s3], [sflag:$0x1] =	stream.linear.gather [hbm4b:s4+s3], $0x7D0, $0x38;
	[tilespmem:$0x17020] =	vst v63  }
0x10: {  	s8 =	rddreg [dreg:$0x6];
	s4 =	simm.s32 $0x2710  }
0x11: {  	[tilespmem:s4], [sflag:$0x1] =	stream.linear.gather [hbm4b:s8+s3], $0x7D0, $0x38;
	[tilespmem:$0x17020] =	vst v63  }
0x12: {  	s5 =	simm.s32 $0x7D0;
	s6 =	rddreg [dreg:$0x7]  }
0x13: {  	[tilespmem:s5], [sflag:$0x1] =	stream.linear.gather [hbm4b:s6+s3], $0x7D0, $0x38;
	[tilespmem:$0x17020] =	vst v63  }
0x14: {  	s9 =	simm.s32 $0x2EE0;
	s29 =	simm.s32 $0xFA0;
	s7 =	rddreg [dreg:$0x8]  }
0x15: {  	[tilespmem:s9], [sflag:$0x1] =	stream.linear.gather [hbm4b:s7+s3], $0x7D0, $0x38;
	[tilespmem:$0x17020] =	vst v63  }
0x16: {  	s12 =	simm.s32 $0x36B0;
	s15 =	simm.s32 $0x1770;
	s26 =	sadd.s32 $0x19F4, s14  }
0x17: {  	[tilespmem:s29], [sflag:$0x1] =	stream.linear.gather [hbm4b:s26+s3], $0x7D0, $0x38;
	[tilespmem:$0x17020] =	vst v63  }
0x18: {  	s18 =	simm.s32 $0x1F40;
	s20 =	simm.s32 $0x4650;
	s7 =	sadd.s32 $0xB634, s14  }
0x19: {  	[tilespmem:s12], [sflag:$0x1] =	stream.linear.gather [hbm4b:s7+s3], $0x7D0, $0x38;
	[tilespmem:$0x17020] =	vst v63  }
0x1a: {  	s1 =	smul.u32 $0x2800, s16;
	s17 =	sshll.u32 s16, $0x6;
	s10 =	sadd.s32 $0x1AEE, s14  }
0x1b: {  	[tilespmem:s15], [sflag:$0x1] =	stream.linear.gather [hbm4b:s10+s3], $0x7D0, $0x38;
	[tilespmem:$0x17020] =	vst v63  }
0x1c: {  	s17 =	sor.u32 $0x1C06, s17;
	s16 =	simm.s32 $0x3E80;
	s11 =	sadd.s32 $0xB72E, s14  }
0x1d: {  	[tilespmem:s16], [sflag:$0x1] =	stream.linear.gather [hbm4b:s11+s3], $0x7D0, $0x38;
	[tilespmem:$0x17020] =	vst v63  }
0x1e: {  	s19 =	sadd.s32 s1, s2;
	s22 =	rddreg [dreg:$0x4];
	s13 =	sadd.s32 $0x1BE8, s14  }
0x1f: {  	[tilespmem:s18], [sflag:$0x1] =	stream.linear.gather [hbm4b:s13+s3], $0x7D0, $0x38;
	[tilespmem:$0x17020] =	vst v63  }
0x20: {  	s21 =	sshrl.u32 s19, $0x3;
	s19 =	simm.s32 $0x6;
	s14 =	sadd.s32 $0xB828, s14  }
0x21: {  	[tilespmem:s20], [sflag:$0x1] =	stream.linear.gather [hbm4b:s14+s3], $0x7D0, $0x38;
	[tilespmem:$0x17020] =	vst v63  }
0x22: {  	[spmem:s21], [sflag:s17] =	dma.local [hbm:s22], $0x500  }
0x23: {  	_ =	swait.ge [sflag:s19], $0x500  }
0x24: {  	[sflag:s19] =	ssyncset.done $0x0  }
0x25: {  	s22 =	simm.s32 $0x1;
	[sflag:s19] =	ssyncadd.s32 $0xFFFFFB00  }
0x26: {  	_ =	swait.ge [sflag:s22], $0x7D0  }
0x27: {  	[sflag:s22] =	ssyncset.done $0x0  }
0x28: {  	[sflag:s22] =	ssyncadd.s32 $0xFFFFF830  }
0x29: {  	_ =	swait.ge [sflag:s22], $0x7D0  }
0x2a: {  	[sflag:s22] =	ssyncset.done $0x0  }
0x2b: {  	s23 =	sadd.s32 $0x15200, s24;
	[sflag:s22] =	ssyncadd.s32 $0xFFFFF830  }
0x2c: {  	s6 =	smov.u32 s24;
	s24 =	simm.s32 $0x4E20;
	[bflag:$0x0] =	sbarrier.arrive $0xFFFF  }
0x2d: {  	[tilespmem:s24], [sflag:$0x2] =	stream.indirect.gather [hbm4b:s23+s5], $0x10, s3, s5, $0xb8;
	[tilespmem:$0x17020] =	vst v63  }
0x2e: {  	_ =	swait.ge [sflag:s22], $0x7D0  }
0x2f: {  	[sflag:s22] =	ssyncset.done $0x0  }
0x30: {  	[sflag:s22] =	ssyncadd.s32 $0xFFFFF830  }
0x31: {  	_ =	swait.ge [sflag:s22], $0x7D0  }
0x32: {  	s25 =	simm.s32 $0xCB20;
	[sflag:s22] =	ssyncset.done $0x0  }
0x33: {  	s8 =	smov.u32 s26;
	s26 =	simm.s32 $0x2;
	[sflag:s22] =	ssyncadd.s32 $0xFFFFF830  }
0x34: {  	[tilespmem:s25], [sflag:$0x3] =	stream.indirect.gather [hbm4b:s23+s5], $0x10, s5, s5, $0xb8;
	[tilespmem:$0x17020] =	vst v63  }
0x35: {  	_ =	swait.ge [sflag:s26], $0x7D00  }
0x36: {  	[sflag:s26] =	ssyncset.done $0x0  }
0x37: {  	[sflag:s26] =	ssyncadd.s32 $0xFFFF8300  }
0x38: {  	[spmem:s2] =	stream.indirect.scatter.add.f32 [tilespmem:s24], [sflag:$0x4], $0x10, s4, s5, $0xb8;
	[tilespmem:$0x17020] =	vst v63  }
0x39: {  	_ =	swait.ge [sflag:s22], $0x7D0  }
0x3a: {  	[sflag:s22] =	ssyncset.done $0x0  }
0x3b: {  	[sflag:s22] =	ssyncadd.s32 $0xFFFFF830  }
0x3c: {  	_ =	swait.ge [sflag:s22], $0x7D0  }
0x3d: {  	[sflag:s22] =	ssyncset.done $0x0  }
0x3e: {  	s28 =	simm.s32 $0x4;
	[sflag:s22] =	ssyncadd.s32 $0xFFFFF830  }
0x3f: {  	_ =	swait.ge [sflag:s28], $0x7D00  }
0x40: {  	[sflag:s28] =	ssyncset.done $0x0  }
0x41: {  	[sflag:s28] =	ssyncadd.s32 $0xFFFF8300  }
0x42: {  	[tilespmem:s24], [sflag:$0x2] =	stream.indirect.gather [hbm4b:s23+s5], $0x10, s29, s5, $0xb8;
	[tilespmem:$0x17020] =	vst v63  }
0x43: {  	s29 =	simm.s32 $0x3  }
0x44: {  	_ =	swait.ge [sflag:s29], $0x7D00  }
0x45: {  	[sflag:s29] =	ssyncset.done $0x0  }
0x46: {  	[sflag:s29] =	ssyncadd.s32 $0xFFFF8300  }
0x47: {  	[spmem:s2] =	stream.indirect.scatter.add.f32 [tilespmem:s25], [sflag:$0x5], $0x10, s9, s5, $0xb8;
	[tilespmem:$0x17020] =	vst v63  }
0x48: {  	_ =	swait.ge [sflag:s22], $0x7D0  }
0x49: {  	[sflag:s22] =	ssyncset.done $0x0  }
0x4a: {  	[sflag:s22] =	ssyncadd.s32 $0xFFFFF830  }
0x4b: {  	_ =	swait.ge [sflag:s22], $0x7D0  }
0x4c: {  	[sflag:s22] =	ssyncset.done $0x0  }
0x4d: {  	s30 =	simm.s32 $0x5;
	[sflag:s22] =	ssyncadd.s32 $0xFFFFF830  }
0x4e: {  	_ =	swait.ge [sflag:s30], $0x7D00  }
0x4f: {  	[sflag:s30] =	ssyncset.done $0x0  }
0x50: {  	[sflag:s30] =	ssyncadd.s32 $0xFFFF8300  }
0x51: {  	[tilespmem:s25], [sflag:$0x3] =	stream.indirect.gather [hbm4b:s23+s5], $0x10, s15, s5, $0xb8;
	[tilespmem:$0x17020] =	vst v63  }
0x52: {  	_ =	swait.ge [sflag:s26], $0x7D00  }
0x53: {  	[sflag:s26] =	ssyncset.done $0x0  }
0x54: {  	[sflag:s26] =	ssyncadd.s32 $0xFFFF8300  }
0x55: {  	[spmem:s2] =	stream.indirect.scatter.add.f32 [tilespmem:s24], [sflag:$0x4], $0x10, s12, s5, $0xb8;
	[tilespmem:$0x17020] =	vst v63  }
0x56: {  	_ =	swait.ge [sflag:s22], $0x7D0  }
0x57: {  	[sflag:s22] =	ssyncset.done $0x0  }
0x58: {  	[sflag:s22] =	ssyncadd.s32 $0xFFFFF830  }
0x59: {  	_ =	swait.ge [sflag:s22], $0x7D0  }
0x5a: {  	[sflag:s22] =	ssyncset.done $0x0  }
0x5b: {  	[sflag:s22] =	ssyncadd.s32 $0xFFFFF830  }
0x5c: {  	_ =	swait.ge [sflag:s28], $0x7D00  }
0x5d: {  	[sflag:s28] =	ssyncset.done $0x0  }
0x5e: {  	[sflag:s28] =	ssyncadd.s32 $0xFFFF8300  }
0x5f: {  	[tilespmem:s24], [sflag:$0x2] =	stream.indirect.gather [hbm4b:s23+s5], $0x10, s18, s5, $0xb8;
	[tilespmem:$0x17020] =	vst v63  }
0x60: {  	_ =	swait.ge [sflag:s29], $0x7D00  }
0x61: {  	[sflag:s29] =	ssyncset.done $0x0  }
0x62: {  	[sflag:s29] =	ssyncadd.s32 $0xFFFF8300  }
0x63: {  	[spmem:s2] =	stream.indirect.scatter.add.f32 [tilespmem:s25], [sflag:$0x5], $0x10, s16, s5, $0xb8;
	[tilespmem:$0x17020] =	vst v63  }
0x64: {  	_ =	swait.ge [sflag:s26], $0x7D00  }
0x65: {  	[sflag:s26] =	ssyncset.done $0x0  }
0x66: {  	s4 =	ssub.s32 $0x2, s31;
	s9 =	smul.u32 $0x28000, s31;
	[sflag:s26] =	ssyncadd.s32 $0xFFFF8300  }
0x67: {  	[spmem:s2] =	stream.indirect.scatter.add.f32 [tilespmem:s24], [sflag:$0x4], $0x10, s20, s5, $0xb8;
	[tilespmem:$0x17020] =	vst v63  }
0x68: {  	s31 =	sshrl.u32 s4, $0x1;
	_ =	swait.ge [sflag:s30], $0x7D00  }
0x69: {  	s0 =	sadd.s32 s1, s9;
	s1 =	ssub.s32 s4, s31;
	[sflag:s30] =	ssyncset.done $0x0  }
0x6a: {  	s9 =	smax.u32 s1, $0x1;
	[sflag:s30] =	ssyncadd.s32 $0xFFFF8300  }
0x6b: {  	p0 =	sne.s32 s9, $0x1;
	_ =	swait.ge [sflag:s28], $0x7D00  }
.Ltmp0:
0x6c: {  	s0 =	sshrl.u32 s0, $0x3;
	[sflag:s28] =	ssyncset.done $0x0;
	(pc) =	sbr.rel @!p0 .LBB2_3-.Ltmp0, $4  }
0x6d: {  	s0 =	sadd.s32 s0, s6;
	[sflag:s28] =	ssyncadd.s32 $0xFFFF8300  }
0x6e: {  	s31 =	sadd.s32 $0x1A200, s0;
	[bflag:$0x0] =	sbarrier.arrive $0xFFFF  }
0x6f: {  	[hbm:s31], [sflag:s17] =	dma.local [spmem:s21], $0x500  }
0x70: {  	s1 =	sadd.s32 $0xFFFFFFFF, s9;
	_ =	swait.ge [sflag:s19], $0x500  }
0x71: {  	s9 =	smov.u32 s7;
	s6 =	simm.s32 $0x2710;
	s7 =	simm.s32 $0x2EE0  }
.LBB2_2:
0x72: {  	[sflag:s19] =	ssyncset.done $0x0  }
0x73: {  	s0 =	rddreg [dreg:$0x5];
	[sflag:s19] =	ssyncadd.s32 $0xFFFFFB00  }
0x74: {  	[tilespmem:s3], [sflag:$0x1] =	stream.linear.gather [hbm4b:s0+s3], $0x7D0, $0x38;
	[tilespmem:$0x17020] =	vst v63  }
0x75: {  	s4 =	rddreg [dreg:$0x6]  }
0x76: {  	[tilespmem:s6], [sflag:$0x1] =	stream.linear.gather [hbm4b:s4+s3], $0x7D0, $0x38;
	[tilespmem:$0x17020] =	vst v63  }
0x77: {  	s0 =	rddreg [dreg:$0x7]  }
0x78: {  	[tilespmem:s5], [sflag:$0x1] =	stream.linear.gather [hbm4b:s0+s3], $0x7D0, $0x38;
	[tilespmem:$0x17020] =	vst v63  }
0x79: {  	s4 =	rddreg [dreg:$0x8]  }
0x7a: {  	[tilespmem:s7], [sflag:$0x1] =	stream.linear.gather [hbm4b:s4+s3], $0x7D0, $0x38;
	[tilespmem:$0x17020] =	vst v63  }
0x7b: {  	s4 =	simm.s32 $0xFA0  }
0x7c: {  	[tilespmem:s4], [sflag:$0x1] =	stream.linear.gather [hbm4b:s8+s3], $0x7D0, $0x38;
	[tilespmem:$0x17020] =	vst v63  }
0x7d: {  	_ = 	snop  }
0x7e: {  	[tilespmem:s12], [sflag:$0x1] =	stream.linear.gather [hbm4b:s9+s3], $0x7D0, $0x38;
	[tilespmem:$0x17020] =	vst v63  }
0x7f: {  	_ = 	snop  }
0x80: {  	[tilespmem:s15], [sflag:$0x1] =	stream.linear.gather [hbm4b:s10+s3], $0x7D0, $0x38;
	[tilespmem:$0x17020] =	vst v63  }
0x81: {  	_ = 	snop  }
0x82: {  	[tilespmem:s16], [sflag:$0x1] =	stream.linear.gather [hbm4b:s11+s3], $0x7D0, $0x38;
	[tilespmem:$0x17020] =	vst v63  }
0x83: {  	_ = 	snop  }
0x84: {  	[tilespmem:s18], [sflag:$0x1] =	stream.linear.gather [hbm4b:s13+s3], $0x7D0, $0x38;
	[tilespmem:$0x17020] =	vst v63  }
0x85: {  	s0 =	rddreg [dreg:$0x4]  }
0x86: {  	[tilespmem:s20], [sflag:$0x1] =	stream.linear.gather [hbm4b:s14+s3], $0x7D0, $0x38;
	[tilespmem:$0x17020] =	vst v63  }
0x87: {  	[spmem:s21], [sflag:s17] =	dma.local [hbm:s0], $0x500  }
0x88: {  	_ =	swait.ge [sflag:s19], $0x500  }
0x89: {  	[sflag:s19] =	ssyncset.done $0x0  }
0x8a: {  	[sflag:s19] =	ssyncadd.s32 $0xFFFFFB00  }
0x8b: {  	_ =	swait.ge [sflag:s22], $0x7D0  }
0x8c: {  	[sflag:s22] =	ssyncset.done $0x0  }
0x8d: {  	[sflag:s22] =	ssyncadd.s32 $0xFFFFF830  }
0x8e: {  	_ =	swait.ge [sflag:s22], $0x7D0  }
0x8f: {  	[sflag:s22] =	ssyncset.done $0x0  }
0x90: {  	[sflag:s22] =	ssyncadd.s32 $0xFFFFF830  }
0x91: {  	[bflag:$0x0] =	sbarrier.arrive $0xFFFF  }
0x92: {  	[tilespmem:s24], [sflag:$0x2] =	stream.indirect.gather [hbm4b:s23+s5], $0x10, s3, s5, $0xb8;
	[tilespmem:$0x17020] =	vst v63  }
0x93: {  	_ =	swait.ge [sflag:s22], $0x7D0  }
0x94: {  	[sflag:s22] =	ssyncset.done $0x0  }
0x95: {  	[sflag:s22] =	ssyncadd.s32 $0xFFFFF830  }
0x96: {  	_ =	swait.ge [sflag:s22], $0x7D0  }
0x97: {  	[sflag:s22] =	ssyncset.done $0x0  }
0x98: {  	[sflag:s22] =	ssyncadd.s32 $0xFFFFF830  }
0x99: {  	[tilespmem:s25], [sflag:$0x3] =	stream.indirect.gather [hbm4b:s23+s5], $0x10, s5, s5, $0xb8;
	[tilespmem:$0x17020] =	vst v63  }
0x9a: {  	_ =	swait.ge [sflag:s26], $0x7D00  }
0x9b: {  	[sflag:s26] =	ssyncset.done $0x0  }
0x9c: {  	[sflag:s26] =	ssyncadd.s32 $0xFFFF8300  }
0x9d: {  	[spmem:s2] =	stream.indirect.scatter.add.f32 [tilespmem:s24], [sflag:$0x4], $0x10, s6, s5, $0xb8;
	[tilespmem:$0x17020] =	vst v63  }
0x9e: {  	_ =	swait.ge [sflag:s22], $0x7D0  }
0x9f: {  	[sflag:s22] =	ssyncset.done $0x0  }
0xa0: {  	[sflag:s22] =	ssyncadd.s32 $0xFFFFF830  }
0xa1: {  	_ =	swait.ge [sflag:s22], $0x7D0  }
0xa2: {  	[sflag:s22] =	ssyncset.done $0x0  }
0xa3: {  	[sflag:s22] =	ssyncadd.s32 $0xFFFFF830  }
0xa4: {  	_ =	swait.ge [sflag:s28], $0x7D00  }
0xa5: {  	[sflag:s28] =	ssyncset.done $0x0  }
0xa6: {  	[sflag:s28] =	ssyncadd.s32 $0xFFFF8300  }
0xa7: {  	[tilespmem:s24], [sflag:$0x2] =	stream.indirect.gather [hbm4b:s23+s5], $0x10, s4, s5, $0xb8;
	[tilespmem:$0x17020] =	vst v63  }
0xa8: {  	_ =	swait.ge [sflag:s29], $0x7D00  }
0xa9: {  	[sflag:s29] =	ssyncset.done $0x0  }
0xaa: {  	[sflag:s29] =	ssyncadd.s32 $0xFFFF8300  }
0xab: {  	[spmem:s2] =	stream.indirect.scatter.add.f32 [tilespmem:s25], [sflag:$0x5], $0x10, s7, s5, $0xb8;
	[tilespmem:$0x17020] =	vst v63  }
0xac: {  	_ =	swait.ge [sflag:s22], $0x7D0  }
0xad: {  	[sflag:s22] =	ssyncset.done $0x0  }
0xae: {  	[sflag:s22] =	ssyncadd.s32 $0xFFFFF830  }
0xaf: {  	_ =	swait.ge [sflag:s22], $0x7D0  }
0xb0: {  	[sflag:s22] =	ssyncset.done $0x0  }
0xb1: {  	[sflag:s22] =	ssyncadd.s32 $0xFFFFF830  }
0xb2: {  	_ =	swait.ge [sflag:s30], $0x7D00  }
0xb3: {  	[sflag:s30] =	ssyncset.done $0x0  }
0xb4: {  	[sflag:s30] =	ssyncadd.s32 $0xFFFF8300  }
0xb5: {  	[tilespmem:s25], [sflag:$0x3] =	stream.indirect.gather [hbm4b:s23+s5], $0x10, s15, s5, $0xb8;
	[tilespmem:$0x17020] =	vst v63  }
0xb6: {  	_ =	swait.ge [sflag:s26], $0x7D00  }
0xb7: {  	[sflag:s26] =	ssyncset.done $0x0  }
0xb8: {  	[sflag:s26] =	ssyncadd.s32 $0xFFFF8300  }
0xb9: {  	[spmem:s2] =	stream.indirect.scatter.add.f32 [tilespmem:s24], [sflag:$0x4], $0x10, s12, s5, $0xb8;
	[tilespmem:$0x17020] =	vst v63  }
0xba: {  	_ =	swait.ge [sflag:s22], $0x7D0  }
0xbb: {  	[sflag:s22] =	ssyncset.done $0x0  }
0xbc: {  	[sflag:s22] =	ssyncadd.s32 $0xFFFFF830  }
0xbd: {  	_ =	swait.ge [sflag:s22], $0x7D0  }
0xbe: {  	[sflag:s22] =	ssyncset.done $0x0  }
0xbf: {  	[sflag:s22] =	ssyncadd.s32 $0xFFFFF830  }
0xc0: {  	_ =	swait.ge [sflag:s28], $0x7D00  }
0xc1: {  	[sflag:s28] =	ssyncset.done $0x0  }
0xc2: {  	[sflag:s28] =	ssyncadd.s32 $0xFFFF8300  }
0xc3: {  	[tilespmem:s24], [sflag:$0x2] =	stream.indirect.gather [hbm4b:s23+s5], $0x10, s18, s5, $0xb8;
	[tilespmem:$0x17020] =	vst v63  }
0xc4: {  	_ =	swait.ge [sflag:s29], $0x7D00  }
0xc5: {  	[sflag:s29] =	ssyncset.done $0x0  }
0xc6: {  	[sflag:s29] =	ssyncadd.s32 $0xFFFF8300  }
0xc7: {  	[spmem:s2] =	stream.indirect.scatter.add.f32 [tilespmem:s25], [sflag:$0x5], $0x10, s16, s5, $0xb8;
	[tilespmem:$0x17020] =	vst v63  }
0xc8: {  	_ =	swait.ge [sflag:s26], $0x7D00  }
0xc9: {  	[sflag:s26] =	ssyncset.done $0x0  }
0xca: {  	[sflag:s26] =	ssyncadd.s32 $0xFFFF8300  }
0xcb: {  	[spmem:s2] =	stream.indirect.scatter.add.f32 [tilespmem:s24], [sflag:$0x4], $0x10, s20, s5, $0xb8;
	[tilespmem:$0x17020] =	vst v63  }
0xcc: {  	_ =	swait.ge [sflag:s30], $0x7D00  }
0xcd: {  	[sflag:s30] =	ssyncset.done $0x0  }
0xce: {  	[sflag:s30] =	ssyncadd.s32 $0xFFFF8300  }
0xcf: {  	p0 =	sne.s32 s1, $0x1;
	_ =	swait.ge [sflag:s28], $0x7D00  }
.Ltmp1:
0xd0: {  	[sflag:s28] =	ssyncset.done $0x0;
	(pc) =	sbr.rel @p0 .LBB2_2-.Ltmp1, $4  }
0xd1: {  	[sflag:s28] =	ssyncadd.s32 $0xFFFF8300  }
0xd2: {  	[bflag:$0x0] =	sbarrier.arrive $0xFFFF  }
0xd3: {  	[hbm:s31], [sflag:s17] =	dma.local [spmem:s21], $0x500  }
0xd4: {  	s1 =	sadd.s32 $0xFFFFFFFF, s1;
	_ =	swait.ge [sflag:s19], $0x500  }
.LBB2_3:
0xd5: {  	[sflag:s19] =	ssyncset.done $0x0  }
0xd6: {  	[sflag:s19] =	ssyncadd.s32 $0xFFFFFB00  }
0xd7: {  	_ =	sfence.sel $0x180000  }
0xd8: {  	[bflag:$0x0] =	sbarrier.arrive $0xFFFF  }
0xd9: {  	_ =	strace $0x90000047  }
0xda: {  	s0 =	stileid.u32;
	[bflag:$0x2] =	sbarrier.arrive $0xFFFF  }
0xdb: {  	p0 =	sne.s32 s0, $0x0;
	s0 =	rddreg [dreg:$0x3]  }
0xdc: {  	s0 =	sadd.s32 @!p0 $0x100000, s0  }
0xdd: {  	[sflag:s0] =	ssyncadd.tile.s32 @!p0 $0x1;
	_ =	shalt  }
.Lfunc_end2:
_tile_overlayer_lowered:
.L_overlay_start_2:
0xde: {  	(tag) =	ssettag $0x2  }
0xdf: {  	s0 =	rddreg [dreg:$0x0];
	s2 =	stileid.u32  }
0xe0: {  	s1 =	rddreg [dreg:$0x1];
	p0 =	sne.s32 s2, $0x0  }
0xe1: {  	s3 =	rddreg [dreg:$0x2];
	[bflag:$0x3] =	sbarrier.arrive $0xFFFF;
	s2 =	simm.s32 @!p0 $0x1C06  }
0xe2: {  	[timem:s3], [sflag:s2] =	dma.local @!p0 [hbm:s0], s1  }
0xe3: {  	s0 =	simm.s32 @!p0 $0x6  }
0xe4: {  	_ =	swait.ge @!p0 [sflag:s0], s1  }
0xe5: {  	s1 =	ssub.s32 @!p0 $0x0, s1;
	[sflag:s0] =	ssyncset.done @!p0 $0x0  }
0xe6: {  	[sflag:s0] =	ssyncadd.s32 @!p0 s1  }
0xe7: {  	[bflag:$0x3] =	sbarrier.arrive $0xFFFF  }
0xe8: {  	_ =	shalt  }

</sc_bundles>
